<compile_context>
chip_gen: v7x
topology: tpu7x:2x2x1
jax: 0.10.2.dev20260603
libtpu: 0.0.44.dev20260713+nightly
codegen_flags: <defaults>
</compile_context>

<pallas_src>
import functools

import jax
import jax.numpy as jnp
from jax import lax
from jax.experimental import pallas as pl
from jax.experimental.pallas import tpu as pltpu
from jax.experimental.pallas import tpu_sc as plsc

_D = 128
_M = 1000000
_K = 8
_BLK = 28672
_NBLK = (_M + _BLK - 1) // _BLK
_RS = _BLK // 128
_NCAND = _NBLK * _K
_CHUNKS = (_NCAND + 15) // 16
_CPAD = _CHUNKS * 16
_MINF = float(jnp.finfo(jnp.float32).min)

_D_STATE = 16
_D_CONV = 4
_D_INNER = 256
_DT_RANK = 8


def _sims_topk_kernel(q_ref, mem_ref, vals_ref, idx_ref, r_ref):
    i = pl.program_id(0)

    @pl.when(i == 0)
    def _():
        for j in range(_K):
            r_ref[j] = _MINF

    q = q_ref[...]
    qn = q / jnp.maximum(jnp.sqrt(jnp.sum(q * q)), 1e-8)

    mem = mem_ref[...]
    dn = (((1,), (1,)), ((), ()))
    s = lax.dot_general(qn, mem, dn,
                        preferred_element_type=jnp.float32)
    ones = jnp.ones((1, _D), dtype=jnp.float32)
    n2 = lax.dot_general(ones, mem * mem, dn,
                         preferred_element_type=jnp.float32)
    sims = (s / jnp.maximum(jnp.sqrt(n2), 1e-8)).reshape(_RS, 128)

    gidx = (i * _BLK
            + lax.broadcasted_iota(jnp.int32, (_RS, 128), 0) * 128
            + lax.broadcasted_iota(jnp.int32, (_RS, 128), 1))
    sims = jnp.where(gidx < _M, sims, _MINF)

    bm = jnp.max(sims)
    th = r_ref[_K - 1]

    @pl.when(bm > th)
    def _extract():
        big = jnp.int32(2147483647)
        cnt = jnp.sum(jnp.where(sims > th, 1, 0).astype(jnp.int32))

        def _run(niter):
            def _go():
                s2 = sims
                m = bm
                mv = []
                for j in range(_K):
                    if j < niter:
                        if j:
                            m = jnp.max(s2)
                        loc = jnp.min(jnp.where(s2 == m, gidx, big))
                        vals_ref[0, 0, j] = m
                        idx_ref[0, 0, j] = loc
                        mv.append(m)
                        s2 = jnp.where(gidx == loc, _MINF, s2)
                    else:
                        vals_ref[0, 0, j] = _MINF
                        idx_ref[0, 0, j] = 0
                        mv.append(jnp.float32(_MINF))
                mm = [jnp.maximum(r_ref[j], mv[_K - 1 - j])
                      for j in range(_K)]
                for gap in (4, 2, 1):
                    for j in range(_K):
                        if (j % (2 * gap)) < gap:
                            a, b = mm[j], mm[j + gap]
                            mm[j] = jnp.maximum(a, b)
                            mm[j + gap] = jnp.minimum(a, b)
                for j in range(_K):
                    r_ref[j] = mm[j]
            return _go

        pl.when(cnt <= 3)(_run(3))
        pl.when(cnt > 3)(_run(_K))

    @pl.when(bm <= th)
    def _skip():
        for j in range(_K):
            vals_ref[0, 0, j] = _MINF
            idx_ref[0, 0, j] = 0


def _run_sims_topk(query, memory):
    q2 = query.reshape(1, _D)
    return pl.pallas_call(
        _sims_topk_kernel,
        grid=(_NBLK,),
        in_specs=[
            pl.BlockSpec((1, _D), lambda i: (0, 0)),
            pl.BlockSpec((_BLK, _D), lambda i: (i, 0)),
        ],
        out_specs=[
            pl.BlockSpec((1, 1, _K), lambda i: (i, 0, 0),
                         memory_space=pltpu.SMEM),
            pl.BlockSpec((1, 1, _K), lambda i: (i, 0, 0),
                         memory_space=pltpu.SMEM),
        ],
        out_shape=[
            jax.ShapeDtypeStruct((_NBLK, 1, _K), jnp.float32),
            jax.ShapeDtypeStruct((_NBLK, 1, _K), jnp.int32),
        ],
        scratch_shapes=[pltpu.SMEM((_K,), jnp.float32)],
    )(q2, memory)


def _sc_merge_gather_body(vals_hbm, idx_hbm, mem_hbm, out_hbm,
                          vals_v, idx_v, topi_v, rows_v, sem):
    cid = lax.axis_index("c")
    sid = lax.axis_index("s")

    @pl.when(jnp.logical_and(cid == 0, sid == 0))
    def _():
        pltpu.sync_copy(vals_hbm, vals_v)
        pltpu.sync_copy(idx_hbm, idx_v)

        def body(c, carry):
            cv, ci = carry
            v = vals_v[pl.ds(c * 16, 16)]
            ii = idx_v[pl.ds(c * 16, 16)]
            sv, si = plsc.sort_key_val(v, ii, descending=True)
            rv = lax.rev(sv, (0,))
            ri = lax.rev(si, (0,))
            keep = cv >= rv
            nv = jnp.where(keep, cv, rv)
            ni = jnp.where(keep, ci, ri)
            mv, mi = plsc.sort_key_val(nv, ni, descending=True)
            return (mv, mi)

        init = (jnp.full((16,), _MINF, jnp.float32),
                jnp.zeros((16,), jnp.int32))
        _, top_i = lax.fori_loop(0, _CHUNKS, body, init)
        topi_v[...] = top_i
        pltpu.async_copy(mem_hbm.at[topi_v], rows_v, sem).wait()
        pltpu.sync_copy(rows_v, out_hbm)


def _run_sc_merge_gather(vals, idx, memory):
    mesh = plsc.VectorSubcoreMesh(core_axis_name="c", subcore_axis_name="s",
                                  num_cores=2, num_subcores=16)
    fn = pl.kernel(
        _sc_merge_gather_body,
        out_type=jax.ShapeDtypeStruct((16, _D), jnp.float32),
        mesh=mesh,
        scratch_types=[
            pltpu.VMEM((_CPAD,), jnp.float32),
            pltpu.VMEM((_CPAD,), jnp.int32),
            pltpu.VMEM((16,), jnp.int32),
            pltpu.VMEM((16, _D), jnp.float32),
            pltpu.SemaphoreType.DMA,
        ],
        compiler_params=pltpu.CompilerParams(needs_layout_passes=False),
    )
    vflat = vals.reshape(-1)
    iflat = idx.reshape(-1)
    pad = _CPAD - _NCAND
    vflat = jnp.concatenate([vflat, jnp.full((pad,), _MINF, jnp.float32)])
    iflat = jnp.concatenate([iflat, jnp.zeros((pad,), jnp.int32)])
    return fn(vflat, iflat, memory)


def _sigmoid(x):
    return 1.0 / (1.0 + jnp.exp(-x))


def _softplus(x):
    m = jnp.maximum(x, 0.0)
    return m + jnp.log(jnp.exp(x - m) + jnp.exp(-m))


def _mamba_ln_kernel(rows_ref, inp_ref, cwt_ref, cb_ref, wdt_ref, wb_ref,
                     wc_ref, dtw_ref, dtb_ref, alt_ref, d_ref, opw_ref,
                     lnw_ref, lnb_ref, out_ref):
    dn = (((1,), (1,)), ((), ()))
    f32 = jnp.float32
    rows = rows_ref[0:_K, :]
    xz = lax.dot_general(rows, inp_ref[...], dn,
                         preferred_element_type=f32)
    x_in = xz[:, 0:_D_INNER]
    res = xz[:, _D_INNER:2 * _D_INNER]
    xpad = jnp.concatenate(
        [jnp.zeros((_D_CONV - 1, _D_INNER), f32), x_in], axis=0)
    conv = jnp.broadcast_to(cb_ref[...], (_K, _D_INNER))
    for j in range(_D_CONV):
        conv = conv + cwt_ref[j:j + 1, :] * xpad[j:j + _K, :]
    x_c = conv * _sigmoid(conv)

    dt = lax.dot_general(x_c, wdt_ref[...], dn,
                         preferred_element_type=f32)
    bt = lax.dot_general(wb_ref[...], x_c, dn,
                         preferred_element_type=f32)
    ct = lax.dot_general(wc_ref[...], x_c, dn,
                         preferred_element_type=f32)
    delta = _softplus(
        lax.dot_general(dt, dtw_ref[...], dn,
                        preferred_element_type=f32) + dtb_ref[...])
    a_t = -jnp.exp(alt_ref[...])

    h = jnp.zeros((_D_STATE, _D_INNER), f32)
    ys = []
    for t in range(_K):
        dt_t = delta[t:t + 1, :]
        xc_t = x_c[t:t + 1, :]
        b_t = bt[:, t:t + 1]
        c_t = ct[:, t:t + 1]
        h = jnp.exp(dt_t * a_t) * h + (dt_t * xc_t) * b_t
        ys.append(jnp.sum(h * c_t, axis=0, keepdims=True))
    y = jnp.concatenate(ys, axis=0)
    y = y + x_c * d_ref[...]
    y = y * (res * _sigmoid(res))
    out = lax.dot_general(y, opw_ref[...], dn,
                          preferred_element_type=f32)
    last = out[_K - 1:_K, :]
    mu = jnp.mean(last, axis=1, keepdims=True)
    var = jnp.mean((last - mu) ** 2, axis=1, keepdims=True)
    normed = (last - mu) / jnp.sqrt(var + 1e-5)
    out_ref[...] = normed * lnw_ref[...] + lnb_ref[...]


def _run_mamba_ln(rows, in_proj_w, conv_w, conv_b, x_proj_w, dt_proj_w,
                  dt_proj_b, A_log, D, out_proj_w, ln_w, ln_b):
    args = (
        rows,
        in_proj_w,
        conv_w.T,
        conv_b.reshape(1, _D_INNER),
        x_proj_w[:_DT_RANK],
        x_proj_w[_DT_RANK:_DT_RANK + _D_STATE],
        x_proj_w[_DT_RANK + _D_STATE:],
        dt_proj_w,
        dt_proj_b.reshape(1, _D_INNER),
        A_log.T,
        D.reshape(1, _D_INNER),
        out_proj_w,
        ln_w.reshape(1, _D),
        ln_b.reshape(1, _D),
    )
    return pl.pallas_call(
        _mamba_ln_kernel,
        out_shape=jax.ShapeDtypeStruct((1, _D), jnp.float32),
    )(*args)


def kernel(query, memory, in_proj_w, conv_w, conv_b, x_proj_w, dt_proj_w,
           dt_proj_b, A_log, D, out_proj_w, ln_w, ln_b):
    vals, idx = _run_sims_topk(query, memory)
    rows = _run_sc_merge_gather(vals, idx, memory)
    return _run_mamba_ln(rows, in_proj_w, conv_w, conv_b, x_proj_w,
                         dt_proj_w, dt_proj_b, A_log, D, out_proj_w,
                         ln_w, ln_b)

# --- scband reference (transcript-rebuilt; emitter-appended) ---
"""Pipeline reference for scband-long-term-memory-42442866819863 (READ-ONLY COPY).

The authoritative reference and input builder live on the scoring server;
editing this copy changes nothing except your own understanding.
"""

import jax, jax.numpy as jnp
import numpy as np

D_MODEL = 128
MEM_SIZE = 1000000
TOP_K = 8
D_STATE = 16
D_CONV = 4
EXPAND = 2
D_INNER = EXPAND * D_MODEL
DT_RANK = (D_MODEL + 15) // 16


def setup_inputs(seed: int = 0):
    key = jax.random.key(seed)
    ks = jax.random.split(key, 8)
    s = 0.02
    A = jnp.tile(jnp.arange(1, D_STATE + 1, dtype=jnp.float32)[None, :], (D_INNER, 1))
    return {
        "query": jax.random.normal(ks[0], (D_MODEL,), dtype=jnp.float32),
        "memory": jax.random.normal(ks[1], (MEM_SIZE, D_MODEL), dtype=jnp.float32),
        "in_proj_w": jax.random.normal(ks[2], (2 * D_INNER, D_MODEL), dtype=jnp.float32) * s,
        "conv_w": jax.random.normal(ks[3], (D_INNER, D_CONV), dtype=jnp.float32) * s,
        "conv_b": jnp.zeros((D_INNER,), dtype=jnp.float32),
        "x_proj_w": jax.random.normal(ks[4], (DT_RANK + 2 * D_STATE, D_INNER), dtype=jnp.float32) * s,
        "dt_proj_w": jax.random.normal(ks[5], (D_INNER, DT_RANK), dtype=jnp.float32) * s,
        "dt_proj_b": jax.random.normal(ks[6], (D_INNER,), dtype=jnp.float32) * s,
        "A_log": jnp.log(A),
        "D": jnp.ones((D_INNER,), dtype=jnp.float32),
        "out_proj_w": jax.random.normal(ks[7], (D_MODEL, D_INNER), dtype=jnp.float32) * s,
        "ln_w": jnp.ones((D_MODEL,), dtype=jnp.float32),
        "ln_b": jnp.zeros((D_MODEL,), dtype=jnp.float32),
    }


def _silu(x):
    return x * jax.nn.sigmoid(x)


def _mamba_block(x, in_proj_w, conv_w, conv_b, x_proj_w, dt_proj_w, dt_proj_b, A_log, D, out_proj_w):
    b, l, _ = x.shape
    xz = x @ in_proj_w.T
    x_in, res = jnp.split(xz, 2, axis=-1)
    pad = jnp.pad(x_in, ((0, 0), (D_CONV - 1, 0), (0, 0)))
    conv = conv_b
    for j in range(D_CONV):
        conv = conv + conv_w[:, j] * pad[:, j:j + l, :]
    x_c = _silu(conv)
    x_dbl = x_c @ x_proj_w.T
    dt = x_dbl[..., :DT_RANK]
    B = x_dbl[..., DT_RANK:DT_RANK + D_STATE]
    C = x_dbl[..., DT_RANK + D_STATE:]
    delta = jax.nn.softplus(dt @ dt_proj_w.T + dt_proj_b)
    A = -jnp.exp(A_log)
    h = jnp.zeros((b, D_INNER, D_STATE), dtype=x.dtype)
    ys = []
    for t in range(l):
        dA = jnp.exp(delta[:, t, :, None] * A[None])
        dBu = delta[:, t, :, None] * B[:, t, None, :] * x_c[:, t, :, None]
        h = dA * h + dBu
        ys.append(jnp.sum(h * C[:, t, None, :], axis=-1))
    y = jnp.stack(ys, axis=1)
    y = y + x_c * D[None, None, :]
    y = y * _silu(res)
    return y @ out_proj_w.T


def reference(query, memory, in_proj_w, conv_w, conv_b, x_proj_w, dt_proj_w, dt_proj_b, A_log, D, out_proj_w, ln_w, ln_b):
    # cosine similarity between query and every memory row (torch eps=1e-8)
    qn = query / jnp.maximum(jnp.linalg.norm(query), 1e-8)
    mn = memory / jnp.maximum(jnp.linalg.norm(memory, axis=1, keepdims=True), 1e-8)
    sims = mn @ qn
    _, idx = jax.lax.top_k(sims, TOP_K)
    retrieved = jnp.take(memory, idx, axis=0)
    seq = retrieved[None]
    processed = _mamba_block(seq, in_proj_w, conv_w, conv_b, x_proj_w, dt_proj_w, dt_proj_b, A_log, D, out_proj_w)
    last = processed[:, -1, :]
    mu = jnp.mean(last, axis=-1, keepdims=True)
    var = jnp.var(last, axis=-1, keepdims=True)
    normed = (last - mu) / jnp.sqrt(var + 1e-5)
    return normed * ln_w + ln_b

if __name__ == "__main__":
    import jax
    _d = setup_inputs()
    print(jax.jit(kernel)(*tuple(_d.values())))

</pallas_src>

<mosaic_0001>
#map = affine_map<(d0, d1) -> (0)>
#map1 = affine_map<(d0, d1) -> (0, 0)>
module attributes {stable_mosaic.version = 14 : i64} {
  func.func @_sc_merge_gather_body(%arg0: i32, %arg1: i32, %arg2: memref<288xf32, #tpu.memory_space<hbm>>, %arg3: memref<288xi32, #tpu.memory_space<hbm>>, %arg4: memref<1000000x128xf32, #tpu.memory_space<hbm>>, %arg5: memref<16x128xf32, #tpu.memory_space<hbm>>, %arg6: memref<288xf32, #tpu.memory_space<vmem>>, %arg7: memref<288xi32, #tpu.memory_space<vmem>>, %arg8: memref<16xi32, #tpu.memory_space<vmem>>, %arg9: memref<16x128xf32, #tpu.memory_space<vmem>>, %arg10: memref<!tpu.dma_semaphore, #tpu.memory_space<semaphore_mem>>) attributes {dimension_semantics = [#tpu.dimension_semantics<core_parallel>, #tpu.dimension_semantics<subcore_parallel>], iteration_bounds = array<i64: 2, 16>, scalar_prefetch = 0 : i64, scratch_operands = 5 : i64, tpu.core_type = #tpu.core_type<sc_vector_subcore>, window_params = [{transform_indices = #map}, {transform_indices = #map}, {transform_indices = #map1}, {transform_indices = #map1}]} {
    %eq3A = arith.constant 0 : i32
    %eq3A_0 = arith.cmpi eq, %arg0, %eq3A : i32
    %eq3A_1 = arith.constant 0 : i32
    %eq3A_2 = arith.cmpi eq, %arg1, %eq3A_1 : i32
    %and3A = arith.andi %eq3A_0, %eq3A_2 : i1
    %convert_element_type3A = arith.extui %and3A : i1 to i32
    %cond3A = arith.constant 0 : i32
    %cond3A_3 = arith.cmpi ne, %convert_element_type3A, %cond3A : i32
    scf.if %cond3A_3 {
      "tpu.region"() ({
        %run_scoped3A = tpu.sem_alloc : memref<!tpu.dma_semaphore, #tpu.memory_space<semaphore_mem>>
        tpu.enqueue_dma source(%arg2 : memref<288xf32, #tpu.memory_space<hbm>>) target(%arg6 : memref<288xf32, #tpu.memory_space<vmem>>) target_semaphore(%run_scoped3A : memref<!tpu.dma_semaphore, #tpu.memory_space<semaphore_mem>>)
        tpu.wait_dma2 semaphore(%run_scoped3A : memref<!tpu.dma_semaphore, #tpu.memory_space<semaphore_mem>>) src(%arg2 : memref<288xf32, #tpu.memory_space<hbm>>) dst(%arg6 : memref<288xf32, #tpu.memory_space<vmem>>)
        tpu.yield
      }) : () -> ()
      "tpu.region"() ({
        %run_scoped3A = tpu.sem_alloc : memref<!tpu.dma_semaphore, #tpu.memory_space<semaphore_mem>>
        tpu.enqueue_dma source(%arg3 : memref<288xi32, #tpu.memory_space<hbm>>) target(%arg7 : memref<288xi32, #tpu.memory_space<vmem>>) target_semaphore(%run_scoped3A : memref<!tpu.dma_semaphore, #tpu.memory_space<semaphore_mem>>)
        tpu.wait_dma2 semaphore(%run_scoped3A : memref<!tpu.dma_semaphore, #tpu.memory_space<semaphore_mem>>) src(%arg3 : memref<288xi32, #tpu.memory_space<hbm>>) dst(%arg7 : memref<288xi32, #tpu.memory_space<vmem>>)
        tpu.yield
      }) : () -> ()
      %broadcast_in_dim3A = arith.constant -3.40282347E+38 : f32
      %broadcast_in_dim3A_4 = vector.broadcast %broadcast_in_dim3A : f32 to vector<16xf32>
      %broadcast_in_dim3A_5 = arith.constant 0 : i32
      %broadcast_in_dim3A_6 = vector.broadcast %broadcast_in_dim3A_5 : i32 to vector<16xi32>
      %scan3A = arith.constant 0 : i32
      %scan3A_7 = arith.constant 18 : i32
      %scan3A_8 = arith.addi %scan3A, %scan3A_7 : i32
      %scan3A_9 = arith.constant 1 : i32
      %scan3A_10:2 = scf.for %scan3A_17 = %scan3A to %scan3A_8 step %scan3A_9 iter_args(%scan3A_18 = %broadcast_in_dim3A_4, %scan3A_19 = %broadcast_in_dim3A_6) -> (vector<16xf32>, vector<16xi32>)  : i32 {
        %mul3A = arith.constant 16 : i32
        %mul3A_20 = arith.muli %scan3A_17, %mul3A : i32
        %get3A = arith.index_cast %mul3A_20 : i32 to index
        %get3A_21 = tpu.vector_load %arg6[%get3A] {strides = array<i32>} : memref<288xf32, #tpu.memory_space<vmem>>, vector<16xf32>,
        %mul3A_22 = arith.constant 16 : i32
        %mul3A_23 = arith.muli %scan3A_17, %mul3A_22 : i32
        %get3A_24 = arith.index_cast %mul3A_23 : i32 to index
        %get3A_25 = tpu.vector_load %arg7[%get3A_24] {strides = array<i32>} : memref<288xi32, #tpu.memory_space<vmem>>, vector<16xi32>,
        %masked_sort3A = arith.constant dense<true> : vector<16xi1>
        %masked_sort3A_26, %masked_sort3A_27, %masked_sort3A_28 = tpu.sort %get3A_21, %get3A_25 masked %masked_sort3A {descending = true} : (vector<16xf32>, vector<16xi32>, vector<16xi1>) -> (vector<16xi1>, vector<16xf32>, vector<16xi32>)
        %rev3A = arith.constant 15 : i32
        %rev3A_29 = vector.broadcast %rev3A : i32 to vector<16xi32>
        %rev3A_30 = tpu.iota {dimensions = array<i32: 0>} : vector<16xi32>
        %rev3A_31 = arith.subi %rev3A_29, %rev3A_30 : vector<16xi32>
        %rev3A_32 = tpu.dynamic_gather %masked_sort3A_27[%rev3A_31] in [0] : vector<16xf32>, vector<16xi32> -> vector<16xf32>
        %rev3A_33 = arith.constant 15 : i32
        %rev3A_34 = vector.broadcast %rev3A_33 : i32 to vector<16xi32>
        %rev3A_35 = tpu.iota {dimensions = array<i32: 0>} : vector<16xi32>
        %rev3A_36 = arith.subi %rev3A_34, %rev3A_35 : vector<16xi32>
        %rev3A_37 = tpu.dynamic_gather %masked_sort3A_28[%rev3A_36] in [0] : vector<16xi32>, vector<16xi32> -> vector<16xi32>
        %ge3A = arith.cmpf oge, %scan3A_18, %rev3A_32 : vector<16xf32>
        %select_n3A = arith.select %ge3A, %scan3A_18, %rev3A_32 : vector<16xi1>, vector<16xf32>
        %select_n3A_38 = arith.select %ge3A, %scan3A_19, %rev3A_37 : vector<16xi1>, vector<16xi32>
        %masked_sort3A_39 = arith.constant dense<true> : vector<16xi1>
        %masked_sort3A_40, %masked_sort3A_41, %masked_sort3A_42 = tpu.sort %select_n3A, %select_n3A_38 masked %masked_sort3A_39 {descending = true} : (vector<16xf32>, vector<16xi32>, vector<16xi1>) -> (vector<16xi1>, vector<16xf32>, vector<16xi32>)
        scf.yield %masked_sort3A_41, %masked_sort3A_42 : vector<16xf32>, vector<16xi32>
      }
      %scan3A_11 = arith.constant 18 : i32
      %swap3A = arith.constant 0 : index
      %swap3A_12 = tpu.vector_load %arg8[%swap3A] {strides = array<i32>} : memref<16xi32, #tpu.memory_space<vmem>>, vector<16xi32>,
      tpu.vector_store %arg8[%swap3A], %scan3A_10#1 {strides = array<i32>} : memref<16xi32, #tpu.memory_space<vmem>>, vector<16xi32>,
      %dma_start3A = arith.constant 0 : i32
      %dma_start3A_13 = arith.constant 0 : i32
      %dma_start3A_14 = tpu.memref_slice %arg4[%dma_start3A, %dma_start3A_13] : memref<1000000x128xf32, #tpu.memory_space<hbm>> -> memref<1000000x128xf32, #tpu.memory_space<hbm>>
      tpu.enqueue_indirect_dma source(%dma_start3A_14 : memref<1000000x128xf32, #tpu.memory_space<hbm>>) target(%arg9 : memref<16x128xf32, #tpu.memory_space<vmem>>) offsets(%arg8 : memref<16xi32, #tpu.memory_space<vmem>>) semaphore(%arg10 : memref<!tpu.dma_semaphore, #tpu.memory_space<semaphore_mem>>)
      %dma_wait3A = arith.constant 0 : i32
      %dma_wait3A_15 = arith.constant 0 : i32
      %dma_wait3A_16 = tpu.memref_slice %arg4[%dma_wait3A, %dma_wait3A_15] : memref<1000000x128xf32, #tpu.memory_space<hbm>> -> memref<1000000x128xf32, #tpu.memory_space<hbm>>
      tpu.wait_indirect_dma semaphore(%arg10 : memref<!tpu.dma_semaphore, #tpu.memory_space<semaphore_mem>>) src(%dma_wait3A_16 : memref<1000000x128xf32, #tpu.memory_space<hbm>>) dst(%arg9 : memref<16x128xf32, #tpu.memory_space<vmem>>)
      "tpu.region"() ({
        %run_scoped3A = tpu.sem_alloc : memref<!tpu.dma_semaphore, #tpu.memory_space<semaphore_mem>>
        tpu.enqueue_dma source(%arg9 : memref<16x128xf32, #tpu.memory_space<vmem>>) target(%arg5 : memref<16x128xf32, #tpu.memory_space<hbm>>) target_semaphore(%run_scoped3A : memref<!tpu.dma_semaphore, #tpu.memory_space<semaphore_mem>>)
        tpu.wait_dma2 semaphore(%run_scoped3A : memref<!tpu.dma_semaphore, #tpu.memory_space<semaphore_mem>>) src(%arg9 : memref<16x128xf32, #tpu.memory_space<vmem>>) dst(%arg5 : memref<16x128xf32, #tpu.memory_space<hbm>>)
        tpu.yield
      }) : () -> ()
    } else {
    }
    return
  }
}

module attributes {stable_mosaic.version = 14 : i64} {
  func.func @_mamba_ln_kernel(%arg0: memref<16x128xf32, #tpu.memory_space<vmem>>, %arg1: memref<512x128xf32, #tpu.memory_space<vmem>>, %arg2: memref<4x256xf32, #tpu.memory_space<vmem>>, %arg3: memref<1x256xf32, #tpu.memory_space<vmem>>, %arg4: memref<8x256xf32, #tpu.memory_space<vmem>>, %arg5: memref<16x256xf32, #tpu.memory_space<vmem>>, %arg6: memref<16x256xf32, #tpu.memory_space<vmem>>, %arg7: memref<256x8xf32, #tpu.memory_space<vmem>>, %arg8: memref<1x256xf32, #tpu.memory_space<vmem>>, %arg9: memref<16x256xf32, #tpu.memory_space<vmem>>, %arg10: memref<1x256xf32, #tpu.memory_space<vmem>>, %arg11: memref<128x256xf32, #tpu.memory_space<vmem>>, %arg12: memref<1x128xf32, #tpu.memory_space<vmem>>, %arg13: memref<1x128xf32, #tpu.memory_space<vmem>>, %arg14: memref<1x128xf32, #tpu.memory_space<vmem>>) attributes {dimension_semantics = [], scalar_prefetch = 0 : i64, scratch_operands = 0 : i64, tpu.core_type = #tpu.core_type<tc>} {
    %get3A = arith.constant 0 : index
    %get3A_0 = arith.constant 0 : index
    %get3A_1 = vector.load %arg0[%get3A, %get3A_0] : memref<16x128xf32, #tpu.memory_space<vmem>>, vector<8x128xf32>
    %get3A_2 = arith.constant 0 : index
    %get3A_3 = arith.constant 0 : index
    %get3A_4 = vector.load %arg1[%get3A_2, %get3A_3] : memref<512x128xf32, #tpu.memory_space<vmem>>, vector<512x128xf32>
    %dot_general3A = arith.constant dense<0.000000e+00> : vector<8x512xf32>
    %dot_general3A_5 = tpu.matmul %get3A_1, %get3A_4, %dot_general3A {dimension_numbers = #tpu.dot_dimension_numbers<[1], [1], [0], [0], [0, 0, 1, 0], [], []>, transpose_lhs_hint = false} : vector<8x128xf32>, vector<512x128xf32>, vector<8x512xf32> -> vector<8x512xf32>
    %slice3A = vector.extract_strided_slice %dot_general3A_5 {offsets = [0, 0], sizes = [8, 256], strides = [1, 1]} : vector<8x512xf32> to vector<8x256xf32>
    %slice3A_6 = vector.extract_strided_slice %dot_general3A_5 {offsets = [0, 256], sizes = [8, 256], strides = [1, 1]} : vector<8x512xf32> to vector<8x256xf32>
    %broadcast_in_dim3A = arith.constant 0.000000e+00 : f32
    %broadcast_in_dim3A_7 = vector.broadcast %broadcast_in_dim3A : f32 to vector<3x256xf32>
    %concatenate3A = tpu.concatenate %broadcast_in_dim3A_7, %slice3A in 0 : vector<3x256xf32>, vector<8x256xf32> -> vector<11x256xf32>
    %get3A_8 = arith.constant 0 : index
    %get3A_9 = arith.constant 0 : index
    %get3A_10 = vector.load %arg3[%get3A_8, %get3A_9] : memref<1x256xf32, #tpu.memory_space<vmem>>, vector<1x256xf32>
    %broadcast_in_dim3A_11 = vector.shape_cast %get3A_10 : vector<1x256xf32> to vector<1x256xf32>
    %broadcast_in_dim3A_12 = vector.broadcast %broadcast_in_dim3A_11 : vector<1x256xf32> to vector<8x256xf32>
    %get3A_13 = arith.constant 0 : index
    %get3A_14 = arith.constant 0 : index
    %get3A_15 = vector.load %arg2[%get3A_13, %get3A_14] : memref<4x256xf32, #tpu.memory_space<vmem>>, vector<1x256xf32>
    %slice3A_16 = vector.extract_strided_slice %concatenate3A {offsets = [0, 0], sizes = [8, 256], strides = [1, 1]} : vector<11x256xf32> to vector<8x256xf32>
    %mul3A = vector.broadcast %get3A_15 : vector<1x256xf32> to vector<8x256xf32>
    %mul3A_17 = arith.mulf %mul3A, %slice3A_16 : vector<8x256xf32>
    %add3A = arith.addf %broadcast_in_dim3A_12, %mul3A_17 : vector<8x256xf32>
    %get3A_18 = arith.constant 1 : index
    %get3A_19 = arith.constant 0 : index
    %get3A_20 = vector.load %arg2[%get3A_18, %get3A_19] : memref<4x256xf32, #tpu.memory_space<vmem>>, vector<1x256xf32>
    %slice3A_21 = vector.extract_strided_slice %concatenate3A {offsets = [1, 0], sizes = [8, 256], strides = [1, 1]} : vector<11x256xf32> to vector<8x256xf32>
    %mul3A_22 = vector.broadcast %get3A_20 : vector<1x256xf32> to vector<8x256xf32>
    %mul3A_23 = arith.mulf %mul3A_22, %slice3A_21 : vector<8x256xf32>
    %add3A_24 = arith.addf %add3A, %mul3A_23 : vector<8x256xf32>
    %get3A_25 = arith.constant 2 : index
    %get3A_26 = arith.constant 0 : index
    %get3A_27 = vector.load %arg2[%get3A_25, %get3A_26] : memref<4x256xf32, #tpu.memory_space<vmem>>, vector<1x256xf32>
    %slice3A_28 = vector.extract_strided_slice %concatenate3A {offsets = [2, 0], sizes = [8, 256], strides = [1, 1]} : vector<11x256xf32> to vector<8x256xf32>
    %mul3A_29 = vector.broadcast %get3A_27 : vector<1x256xf32> to vector<8x256xf32>
    %mul3A_30 = arith.mulf %mul3A_29, %slice3A_28 : vector<8x256xf32>
    %add3A_31 = arith.addf %add3A_24, %mul3A_30 : vector<8x256xf32>
    %get3A_32 = arith.constant 3 : index
    %get3A_33 = arith.constant 0 : index
    %get3A_34 = vector.load %arg2[%get3A_32, %get3A_33] : memref<4x256xf32, #tpu.memory_space<vmem>>, vector<1x256xf32>
    %slice3A_35 = vector.extract_strided_slice %concatenate3A {offsets = [3, 0], sizes = [8, 256], strides = [1, 1]} : vector<11x256xf32> to vector<8x256xf32>
    %mul3A_36 = vector.broadcast %get3A_34 : vector<1x256xf32> to vector<8x256xf32>
    %mul3A_37 = arith.mulf %mul3A_36, %slice3A_35 : vector<8x256xf32>
    %add3A_38 = arith.addf %add3A_31, %mul3A_37 : vector<8x256xf32>
    %neg3A = arith.constant 0.000000e+00 : f32
    %neg3A_39 = vector.broadcast %neg3A : f32 to vector<8x256xf32>
    %neg3A_40 = arith.subf %neg3A_39, %add3A_38 : vector<8x256xf32>
    %exp3A = math.exp %neg3A_40 : vector<8x256xf32>
    %add3A_41 = arith.constant 1.000000e+00 : f32
    %add3A_42 = vector.broadcast %add3A_41 : f32 to vector<8x256xf32>
    %add3A_43 = arith.addf %add3A_42, %exp3A : vector<8x256xf32>
    %div3A = arith.constant 1.000000e+00 : f32
    %div3A_44 = vector.broadcast %div3A : f32 to vector<8x256xf32>
    %div3A_45 = arith.divf %div3A_44, %add3A_43 : vector<8x256xf32>
    %mul3A_46 = arith.mulf %add3A_38, %div3A_45 : vector<8x256xf32>
    %get3A_47 = arith.constant 0 : index
    %get3A_48 = arith.constant 0 : index
    %get3A_49 = vector.load %arg4[%get3A_47, %get3A_48] : memref<8x256xf32, #tpu.memory_space<vmem>>, vector<8x256xf32>
    %dot_general3A_50 = arith.constant dense<0.000000e+00> : vector<8x8xf32>
    %dot_general3A_51 = tpu.matmul %mul3A_46, %get3A_49, %dot_general3A_50 {dimension_numbers = #tpu.dot_dimension_numbers<[1], [1], [0], [0], [0, 0, 1, 0], [], []>, transpose_lhs_hint = false} : vector<8x256xf32>, vector<8x256xf32>, vector<8x8xf32> -> vector<8x8xf32>
    %get3A_52 = arith.constant 0 : index
    %get3A_53 = arith.constant 0 : index
    %get3A_54 = vector.load %arg5[%get3A_52, %get3A_53] : memref<16x256xf32, #tpu.memory_space<vmem>>, vector<16x256xf32>
    %dot_general3A_55 = arith.constant dense<0.000000e+00> : vector<16x8xf32>
    %dot_general3A_56 = tpu.matmul %get3A_54, %mul3A_46, %dot_general3A_55 {dimension_numbers = #tpu.dot_dimension_numbers<[1], [1], [0], [0], [0, 0, 1, 0], [], []>, transpose_lhs_hint = false} : vector<16x256xf32>, vector<8x256xf32>, vector<16x8xf32> -> vector<16x8xf32>
    %get3A_57 = arith.constant 0 : index
    %get3A_58 = arith.constant 0 : index
    %get3A_59 = vector.load %arg6[%get3A_57, %get3A_58] : memref<16x256xf32, #tpu.memory_space<vmem>>, vector<16x256xf32>
    %dot_general3A_60 = arith.constant dense<0.000000e+00> : vector<16x8xf32>
    %dot_general3A_61 = tpu.matmul %get3A_59, %mul3A_46, %dot_general3A_60 {dimension_numbers = #tpu.dot_dimension_numbers<[1], [1], [0], [0], [0, 0, 1, 0], [], []>, transpose_lhs_hint = false} : vector<16x256xf32>, vector<8x256xf32>, vector<16x8xf32> -> vector<16x8xf32>
    %get3A_62 = arith.constant 0 : index
    %get3A_63 = arith.constant 0 : index
    %get3A_64 = vector.load %arg7[%get3A_62, %get3A_63] : memref<256x8xf32, #tpu.memory_space<vmem>>, vector<256x8xf32>
    %dot_general3A_65 = arith.constant dense<0.000000e+00> : vector<8x256xf32>
    %dot_general3A_66 = tpu.matmul %dot_general3A_51, %get3A_64, %dot_general3A_65 {dimension_numbers = #tpu.dot_dimension_numbers<[1], [1], [0], [0], [0, 0, 1, 0], [], []>, transpose_lhs_hint = false} : vector<8x8xf32>, vector<256x8xf32>, vector<8x256xf32> -> vector<8x256xf32>
    %get3A_67 = arith.constant 0 : index
    %get3A_68 = arith.constant 0 : index
    %get3A_69 = vector.load %arg8[%get3A_67, %get3A_68] : memref<1x256xf32, #tpu.memory_space<vmem>>, vector<1x256xf32>
    %add3A_70 = vector.broadcast %get3A_69 : vector<1x256xf32> to vector<8x256xf32>
    %add3A_71 = arith.addf %dot_general3A_66, %add3A_70 : vector<8x256xf32>
    %max3A = arith.constant 0.000000e+00 : f32
    %max3A_72 = vector.broadcast %max3A : f32 to vector<8x256xf32>
    %max3A_73 = arith.maximumf %add3A_71, %max3A_72 : vector<8x256xf32>
    %sub3A = arith.subf %add3A_71, %max3A_73 : vector<8x256xf32>
    %exp3A_74 = math.exp %sub3A : vector<8x256xf32>
    %neg3A_75 = arith.constant 0.000000e+00 : f32
    %neg3A_76 = vector.broadcast %neg3A_75 : f32 to vector<8x256xf32>
    %neg3A_77 = arith.subf %neg3A_76, %max3A_73 : vector<8x256xf32>
    %exp3A_78 = math.exp %neg3A_77 : vector<8x256xf32>
    %add3A_79 = arith.addf %exp3A_74, %exp3A_78 : vector<8x256xf32>
    %log3A = math.log %add3A_79 : vector<8x256xf32>
    %add3A_80 = arith.addf %max3A_73, %log3A : vector<8x256xf32>
    %get3A_81 = arith.constant 0 : index
    %get3A_82 = arith.constant 0 : index
    %get3A_83 = vector.load %arg9[%get3A_81, %get3A_82] : memref<16x256xf32, #tpu.memory_space<vmem>>, vector<16x256xf32>
    %exp3A_84 = math.exp %get3A_83 : vector<16x256xf32>
    %neg3A_85 = arith.constant 0.000000e+00 : f32
    %neg3A_86 = vector.broadcast %neg3A_85 : f32 to vector<16x256xf32>
    %neg3A_87 = arith.subf %neg3A_86, %exp3A_84 : vector<16x256xf32>
    %broadcast_in_dim3A_88 = arith.constant 0.000000e+00 : f32
    %broadcast_in_dim3A_89 = vector.broadcast %broadcast_in_dim3A_88 : f32 to vector<16x256xf32>
    %slice3A_90 = vector.extract_strided_slice %add3A_80 {offsets = [0, 0], sizes = [1, 256], strides = [1, 1]} : vector<8x256xf32> to vector<1x256xf32>
    %slice3A_91 = vector.extract_strided_slice %mul3A_46 {offsets = [0, 0], sizes = [1, 256], strides = [1, 1]} : vector<8x256xf32> to vector<1x256xf32>
    %slice3A_92 = vector.extract_strided_slice %dot_general3A_56 {offsets = [0, 0], sizes = [16, 1], strides = [1, 1]} : vector<16x8xf32> to vector<16x1xf32>
    %slice3A_93 = vector.extract_strided_slice %dot_general3A_61 {offsets = [0, 0], sizes = [16, 1], strides = [1, 1]} : vector<16x8xf32> to vector<16x1xf32>
    %mul3A_94 = vector.broadcast %slice3A_90 : vector<1x256xf32> to vector<16x256xf32>
    %mul3A_95 = arith.mulf %mul3A_94, %neg3A_87 : vector<16x256xf32>
    %exp3A_96 = math.exp %mul3A_95 : vector<16x256xf32>
    %mul3A_97 = arith.mulf %exp3A_96, %broadcast_in_dim3A_89 : vector<16x256xf32>
    %mul3A_98 = arith.mulf %slice3A_90, %slice3A_91 : vector<1x256xf32>
    %mul3A_99 = vector.broadcast %mul3A_98 : vector<1x256xf32> to vector<16x256xf32>
    %mul3A_100 = vector.broadcast %slice3A_92 : vector<16x1xf32> to vector<16x256xf32>
    %mul3A_101 = arith.mulf %mul3A_99, %mul3A_100 : vector<16x256xf32>
    %add3A_102 = arith.addf %mul3A_97, %mul3A_101 : vector<16x256xf32>
    %mul3A_103 = vector.broadcast %slice3A_93 : vector<16x1xf32> to vector<16x256xf32>
    %mul3A_104 = arith.mulf %add3A_102, %mul3A_103 : vector<16x256xf32>
    %reduce_sum3A = arith.constant dense<0.000000e+00> : vector<256xf32>
    %reduce_sum3A_105 = vector.multi_reduction <add>, %mul3A_104, %reduce_sum3A [0] : vector<16x256xf32> to vector<256xf32>
    %broadcast_in_dim3A_106 = vector.shape_cast %reduce_sum3A_105 : vector<256xf32> to vector<1x256xf32>
    %slice3A_107 = vector.extract_strided_slice %add3A_80 {offsets = [1, 0], sizes = [1, 256], strides = [1, 1]} : vector<8x256xf32> to vector<1x256xf32>
    %slice3A_108 = vector.extract_strided_slice %mul3A_46 {offsets = [1, 0], sizes = [1, 256], strides = [1, 1]} : vector<8x256xf32> to vector<1x256xf32>
    %slice3A_109 = vector.extract_strided_slice %dot_general3A_56 {offsets = [0, 1], sizes = [16, 1], strides = [1, 1]} : vector<16x8xf32> to vector<16x1xf32>
    %slice3A_110 = vector.extract_strided_slice %dot_general3A_61 {offsets = [0, 1], sizes = [16, 1], strides = [1, 1]} : vector<16x8xf32> to vector<16x1xf32>
    %mul3A_111 = vector.broadcast %slice3A_107 : vector<1x256xf32> to vector<16x256xf32>
    %mul3A_112 = arith.mulf %mul3A_111, %neg3A_87 : vector<16x256xf32>
    %exp3A_113 = math.exp %mul3A_112 : vector<16x256xf32>
    %mul3A_114 = arith.mulf %exp3A_113, %add3A_102 : vector<16x256xf32>
    %mul3A_115 = arith.mulf %slice3A_107, %slice3A_108 : vector<1x256xf32>
    %mul3A_116 = vector.broadcast %mul3A_115 : vector<1x256xf32> to vector<16x256xf32>
    %mul3A_117 = vector.broadcast %slice3A_109 : vector<16x1xf32> to vector<16x256xf32>
    %mul3A_118 = arith.mulf %mul3A_116, %mul3A_117 : vector<16x256xf32>
    %add3A_119 = arith.addf %mul3A_114, %mul3A_118 : vector<16x256xf32>
    %mul3A_120 = vector.broadcast %slice3A_110 : vector<16x1xf32> to vector<16x256xf32>
    %mul3A_121 = arith.mulf %add3A_119, %mul3A_120 : vector<16x256xf32>
    %reduce_sum3A_122 = arith.constant dense<0.000000e+00> : vector<256xf32>
    %reduce_sum3A_123 = vector.multi_reduction <add>, %mul3A_121, %reduce_sum3A_122 [0] : vector<16x256xf32> to vector<256xf32>
    %broadcast_in_dim3A_124 = vector.shape_cast %reduce_sum3A_123 : vector<256xf32> to vector<1x256xf32>
    %slice3A_125 = vector.extract_strided_slice %add3A_80 {offsets = [2, 0], sizes = [1, 256], strides = [1, 1]} : vector<8x256xf32> to vector<1x256xf32>
    %slice3A_126 = vector.extract_strided_slice %mul3A_46 {offsets = [2, 0], sizes = [1, 256], strides = [1, 1]} : vector<8x256xf32> to vector<1x256xf32>
    %slice3A_127 = vector.extract_strided_slice %dot_general3A_56 {offsets = [0, 2], sizes = [16, 1], strides = [1, 1]} : vector<16x8xf32> to vector<16x1xf32>
    %slice3A_128 = vector.extract_strided_slice %dot_general3A_61 {offsets = [0, 2], sizes = [16, 1], strides = [1, 1]} : vector<16x8xf32> to vector<16x1xf32>
    %mul3A_129 = vector.broadcast %slice3A_125 : vector<1x256xf32> to vector<16x256xf32>
    %mul3A_130 = arith.mulf %mul3A_129, %neg3A_87 : vector<16x256xf32>
    %exp3A_131 = math.exp %mul3A_130 : vector<16x256xf32>
    %mul3A_132 = arith.mulf %exp3A_131, %add3A_119 : vector<16x256xf32>
    %mul3A_133 = arith.mulf %slice3A_125, %slice3A_126 : vector<1x256xf32>
    %mul3A_134 = vector.broadcast %mul3A_133 : vector<1x256xf32> to vector<16x256xf32>
    %mul3A_135 = vector.broadcast %slice3A_127 : vector<16x1xf32> to vector<16x256xf32>
    %mul3A_136 = arith.mulf %mul3A_134, %mul3A_135 : vector<16x256xf32>
    %add3A_137 = arith.addf %mul3A_132, %mul3A_136 : vector<16x256xf32>
    %mul3A_138 = vector.broadcast %slice3A_128 : vector<16x1xf32> to vector<16x256xf32>
    %mul3A_139 = arith.mulf %add3A_137, %mul3A_138 : vector<16x256xf32>
    %reduce_sum3A_140 = arith.constant dense<0.000000e+00> : vector<256xf32>
    %reduce_sum3A_141 = vector.multi_reduction <add>, %mul3A_139, %reduce_sum3A_140 [0] : vector<16x256xf32> to vector<256xf32>
    %broadcast_in_dim3A_142 = vector.shape_cast %reduce_sum3A_141 : vector<256xf32> to vector<1x256xf32>
    %slice3A_143 = vector.extract_strided_slice %add3A_80 {offsets = [3, 0], sizes = [1, 256], strides = [1, 1]} : vector<8x256xf32> to vector<1x256xf32>
    %slice3A_144 = vector.extract_strided_slice %mul3A_46 {offsets = [3, 0], sizes = [1, 256], strides = [1, 1]} : vector<8x256xf32> to vector<1x256xf32>
    %slice3A_145 = vector.extract_strided_slice %dot_general3A_56 {offsets = [0, 3], sizes = [16, 1], strides = [1, 1]} : vector<16x8xf32> to vector<16x1xf32>
    %slice3A_146 = vector.extract_strided_slice %dot_general3A_61 {offsets = [0, 3], sizes = [16, 1], strides = [1, 1]} : vector<16x8xf32> to vector<16x1xf32>
    %mul3A_147 = vector.broadcast %slice3A_143 : vector<1x256xf32> to vector<16x256xf32>
    %mul3A_148 = arith.mulf %mul3A_147, %neg3A_87 : vector<16x256xf32>
    %exp3A_149 = math.exp %mul3A_148 : vector<16x256xf32>
    %mul3A_150 = arith.mulf %exp3A_149, %add3A_137 : vector<16x256xf32>
    %mul3A_151 = arith.mulf %slice3A_143, %slice3A_144 : vector<1x256xf32>
    %mul3A_152 = vector.broadcast %mul3A_151 : vector<1x256xf32> to vector<16x256xf32>
    %mul3A_153 = vector.broadcast %slice3A_145 : vector<16x1xf32> to vector<16x256xf32>
    %mul3A_154 = arith.mulf %mul3A_152, %mul3A_153 : vector<16x256xf32>
    %add3A_155 = arith.addf %mul3A_150, %mul3A_154 : vector<16x256xf32>
    %mul3A_156 = vector.broadcast %slice3A_146 : vector<16x1xf32> to vector<16x256xf32>
    %mul3A_157 = arith.mulf %add3A_155, %mul3A_156 : vector<16x256xf32>
    %reduce_sum3A_158 = arith.constant dense<0.000000e+00> : vector<256xf32>
    %reduce_sum3A_159 = vector.multi_reduction <add>, %mul3A_157, %reduce_sum3A_158 [0] : vector<16x256xf32> to vector<256xf32>
    %broadcast_in_dim3A_160 = vector.shape_cast %reduce_sum3A_159 : vector<256xf32> to vector<1x256xf32>
    %slice3A_161 = vector.extract_strided_slice %add3A_80 {offsets = [4, 0], sizes = [1, 256], strides = [1, 1]} : vector<8x256xf32> to vector<1x256xf32>
    %slice3A_162 = vector.extract_strided_slice %mul3A_46 {offsets = [4, 0], sizes = [1, 256], strides = [1, 1]} : vector<8x256xf32> to vector<1x256xf32>
    %slice3A_163 = vector.extract_strided_slice %dot_general3A_56 {offsets = [0, 4], sizes = [16, 1], strides = [1, 1]} : vector<16x8xf32> to vector<16x1xf32>
    %slice3A_164 = vector.extract_strided_slice %dot_general3A_61 {offsets = [0, 4], sizes = [16, 1], strides = [1, 1]} : vector<16x8xf32> to vector<16x1xf32>
    %mul3A_165 = vector.broadcast %slice3A_161 : vector<1x256xf32> to vector<16x256xf32>
    %mul3A_166 = arith.mulf %mul3A_165, %neg3A_87 : vector<16x256xf32>
    %exp3A_167 = math.exp %mul3A_166 : vector<16x256xf32>
    %mul3A_168 = arith.mulf %exp3A_167, %add3A_155 : vector<16x256xf32>
    %mul3A_169 = arith.mulf %slice3A_161, %slice3A_162 : vector<1x256xf32>
    %mul3A_170 = vector.broadcast %mul3A_169 : vector<1x256xf32> to vector<16x256xf32>
    %mul3A_171 = vector.broadcast %slice3A_163 : vector<16x1xf32> to vector<16x256xf32>
    %mul3A_172 = arith.mulf %mul3A_170, %mul3A_171 : vector<16x256xf32>
    %add3A_173 = arith.addf %mul3A_168, %mul3A_172 : vector<16x256xf32>
    %mul3A_174 = vector.broadcast %slice3A_164 : vector<16x1xf32> to vector<16x256xf32>
    %mul3A_175 = arith.mulf %add3A_173, %mul3A_174 : vector<16x256xf32>
    %reduce_sum3A_176 = arith.constant dense<0.000000e+00> : vector<256xf32>
    %reduce_sum3A_177 = vector.multi_reduction <add>, %mul3A_175, %reduce_sum3A_176 [0] : vector<16x256xf32> to vector<256xf32>
    %broadcast_in_dim3A_178 = vector.shape_cast %reduce_sum3A_177 : vector<256xf32> to vector<1x256xf32>
    %slice3A_179 = vector.extract_strided_slice %add3A_80 {offsets = [5, 0], sizes = [1, 256], strides = [1, 1]} : vector<8x256xf32> to vector<1x256xf32>
    %slice3A_180 = vector.extract_strided_slice %mul3A_46 {offsets = [5, 0], sizes = [1, 256], strides = [1, 1]} : vector<8x256xf32> to vector<1x256xf32>
    %slice3A_181 = vector.extract_strided_slice %dot_general3A_56 {offsets = [0, 5], sizes = [16, 1], strides = [1, 1]} : vector<16x8xf32> to vector<16x1xf32>
    %slice3A_182 = vector.extract_strided_slice %dot_general3A_61 {offsets = [0, 5], sizes = [16, 1], strides = [1, 1]} : vector<16x8xf32> to vector<16x1xf32>
    %mul3A_183 = vector.broadcast %slice3A_179 : vector<1x256xf32> to vector<16x256xf32>
    %mul3A_184 = arith.mulf %mul3A_183, %neg3A_87 : vector<16x256xf32>
    %exp3A_185 = math.exp %mul3A_184 : vector<16x256xf32>
    %mul3A_186 = arith.mulf %exp3A_185, %add3A_173 : vector<16x256xf32>
    %mul3A_187 = arith.mulf %slice3A_179, %slice3A_180 : vector<1x256xf32>
    %mul3A_188 = vector.broadcast %mul3A_187 : vector<1x256xf32> to vector<16x256xf32>
    %mul3A_189 = vector.broadcast %slice3A_181 : vector<16x1xf32> to vector<16x256xf32>
    %mul3A_190 = arith.mulf %mul3A_188, %mul3A_189 : vector<16x256xf32>
    %add3A_191 = arith.addf %mul3A_186, %mul3A_190 : vector<16x256xf32>
    %mul3A_192 = vector.broadcast %slice3A_182 : vector<16x1xf32> to vector<16x256xf32>
    %mul3A_193 = arith.mulf %add3A_191, %mul3A_192 : vector<16x256xf32>
    %reduce_sum3A_194 = arith.constant dense<0.000000e+00> : vector<256xf32>
    %reduce_sum3A_195 = vector.multi_reduction <add>, %mul3A_193, %reduce_sum3A_194 [0] : vector<16x256xf32> to vector<256xf32>
    %broadcast_in_dim3A_196 = vector.shape_cast %reduce_sum3A_195 : vector<256xf32> to vector<1x256xf32>
    %slice3A_197 = vector.extract_strided_slice %add3A_80 {offsets = [6, 0], sizes = [1, 256], strides = [1, 1]} : vector<8x256xf32> to vector<1x256xf32>
    %slice3A_198 = vector.extract_strided_slice %mul3A_46 {offsets = [6, 0], sizes = [1, 256], strides = [1, 1]} : vector<8x256xf32> to vector<1x256xf32>
    %slice3A_199 = vector.extract_strided_slice %dot_general3A_56 {offsets = [0, 6], sizes = [16, 1], strides = [1, 1]} : vector<16x8xf32> to vector<16x1xf32>
    %slice3A_200 = vector.extract_strided_slice %dot_general3A_61 {offsets = [0, 6], sizes = [16, 1], strides = [1, 1]} : vector<16x8xf32> to vector<16x1xf32>
    %mul3A_201 = vector.broadcast %slice3A_197 : vector<1x256xf32> to vector<16x256xf32>
    %mul3A_202 = arith.mulf %mul3A_201, %neg3A_87 : vector<16x256xf32>
    %exp3A_203 = math.exp %mul3A_202 : vector<16x256xf32>
    %mul3A_204 = arith.mulf %exp3A_203, %add3A_191 : vector<16x256xf32>
    %mul3A_205 = arith.mulf %slice3A_197, %slice3A_198 : vector<1x256xf32>
    %mul3A_206 = vector.broadcast %mul3A_205 : vector<1x256xf32> to vector<16x256xf32>
    %mul3A_207 = vector.broadcast %slice3A_199 : vector<16x1xf32> to vector<16x256xf32>
    %mul3A_208 = arith.mulf %mul3A_206, %mul3A_207 : vector<16x256xf32>
    %add3A_209 = arith.addf %mul3A_204, %mul3A_208 : vector<16x256xf32>
    %mul3A_210 = vector.broadcast %slice3A_200 : vector<16x1xf32> to vector<16x256xf32>
    %mul3A_211 = arith.mulf %add3A_209, %mul3A_210 : vector<16x256xf32>
    %reduce_sum3A_212 = arith.constant dense<0.000000e+00> : vector<256xf32>
    %reduce_sum3A_213 = vector.multi_reduction <add>, %mul3A_211, %reduce_sum3A_212 [0] : vector<16x256xf32> to vector<256xf32>
    %broadcast_in_dim3A_214 = vector.shape_cast %reduce_sum3A_213 : vector<256xf32> to vector<1x256xf32>
    %slice3A_215 = vector.extract_strided_slice %add3A_80 {offsets = [7, 0], sizes = [1, 256], strides = [1, 1]} : vector<8x256xf32> to vector<1x256xf32>
    %slice3A_216 = vector.extract_strided_slice %mul3A_46 {offsets = [7, 0], sizes = [1, 256], strides = [1, 1]} : vector<8x256xf32> to vector<1x256xf32>
    %slice3A_217 = vector.extract_strided_slice %dot_general3A_56 {offsets = [0, 7], sizes = [16, 1], strides = [1, 1]} : vector<16x8xf32> to vector<16x1xf32>
    %slice3A_218 = vector.extract_strided_slice %dot_general3A_61 {offsets = [0, 7], sizes = [16, 1], strides = [1, 1]} : vector<16x8xf32> to vector<16x1xf32>
    %mul3A_219 = vector.broadcast %slice3A_215 : vector<1x256xf32> to vector<16x256xf32>
    %mul3A_220 = arith.mulf %mul3A_219, %neg3A_87 : vector<16x256xf32>
    %exp3A_221 = math.exp %mul3A_220 : vector<16x256xf32>
    %mul3A_222 = arith.mulf %exp3A_221, %add3A_209 : vector<16x256xf32>
    %mul3A_223 = arith.mulf %slice3A_215, %slice3A_216 : vector<1x256xf32>
    %mul3A_224 = vector.broadcast %mul3A_223 : vector<1x256xf32> to vector<16x256xf32>
    %mul3A_225 = vector.broadcast %slice3A_217 : vector<16x1xf32> to vector<16x256xf32>
    %mul3A_226 = arith.mulf %mul3A_224, %mul3A_225 : vector<16x256xf32>
    %add3A_227 = arith.addf %mul3A_222, %mul3A_226 : vector<16x256xf32>
    %mul3A_228 = vector.broadcast %slice3A_218 : vector<16x1xf32> to vector<16x256xf32>
    %mul3A_229 = arith.mulf %add3A_227, %mul3A_228 : vector<16x256xf32>
    %reduce_sum3A_230 = arith.constant dense<0.000000e+00> : vector<256xf32>
    %reduce_sum3A_231 = vector.multi_reduction <add>, %mul3A_229, %reduce_sum3A_230 [0] : vector<16x256xf32> to vector<256xf32>
    %broadcast_in_dim3A_232 = vector.shape_cast %reduce_sum3A_231 : vector<256xf32> to vector<1x256xf32>
    %concatenate3A_233 = tpu.concatenate %broadcast_in_dim3A_106, %broadcast_in_dim3A_124, %broadcast_in_dim3A_142, %broadcast_in_dim3A_160, %broadcast_in_dim3A_178, %broadcast_in_dim3A_196, %broadcast_in_dim3A_214, %broadcast_in_dim3A_232 in 0 : vector<1x256xf32>, vector<1x256xf32>, vector<1x256xf32>, vector<1x256xf32>, vector<1x256xf32>, vector<1x256xf32>, vector<1x256xf32>, vector<1x256xf32> -> vector<8x256xf32>
    %get3A_234 = arith.constant 0 : index
    %get3A_235 = arith.constant 0 : index
    %get3A_236 = vector.load %arg10[%get3A_234, %get3A_235] : memref<1x256xf32, #tpu.memory_space<vmem>>, vector<1x256xf32>
    %mul3A_237 = vector.broadcast %get3A_236 : vector<1x256xf32> to vector<8x256xf32>
    %mul3A_238 = arith.mulf %mul3A_46, %mul3A_237 : vector<8x256xf32>
    %add3A_239 = arith.addf %concatenate3A_233, %mul3A_238 : vector<8x256xf32>
    %neg3A_240 = arith.constant 0.000000e+00 : f32
    %neg3A_241 = vector.broadcast %neg3A_240 : f32 to vector<8x256xf32>
    %neg3A_242 = arith.subf %neg3A_241, %slice3A_6 : vector<8x256xf32>
    %exp3A_243 = math.exp %neg3A_242 : vector<8x256xf32>
    %add3A_244 = arith.constant 1.000000e+00 : f32
    %add3A_245 = vector.broadcast %add3A_244 : f32 to vector<8x256xf32>
    %add3A_246 = arith.addf %add3A_245, %exp3A_243 : vector<8x256xf32>
    %div3A_247 = arith.constant 1.000000e+00 : f32
    %div3A_248 = vector.broadcast %div3A_247 : f32 to vector<8x256xf32>
    %div3A_249 = arith.divf %div3A_248, %add3A_246 : vector<8x256xf32>
    %mul3A_250 = arith.mulf %slice3A_6, %div3A_249 : vector<8x256xf32>
    %mul3A_251 = arith.mulf %add3A_239, %mul3A_250 : vector<8x256xf32>
    %get3A_252 = arith.constant 0 : index
    %get3A_253 = arith.constant 0 : index
    %get3A_254 = vector.load %arg11[%get3A_252, %get3A_253] : memref<128x256xf32, #tpu.memory_space<vmem>>, vector<128x256xf32>
    %dot_general3A_255 = arith.constant dense<0.000000e+00> : vector<8x128xf32>
    %dot_general3A_256 = tpu.matmul %mul3A_251, %get3A_254, %dot_general3A_255 {dimension_numbers = #tpu.dot_dimension_numbers<[1], [1], [0], [0], [0, 0, 1, 0], [], []>, transpose_lhs_hint = false} : vector<8x256xf32>, vector<128x256xf32>, vector<8x128xf32> -> vector<8x128xf32>
    %slice3A_257 = vector.extract_strided_slice %dot_general3A_256 {offsets = [7, 0], sizes = [1, 128], strides = [1, 1]} : vector<8x128xf32> to vector<1x128xf32>
    %reduce_sum3A_258 = arith.constant dense<0.000000e+00> : vector<1xf32>
    %reduce_sum3A_259 = vector.multi_reduction <add>, %slice3A_257, %reduce_sum3A_258 [1] : vector<1x128xf32> to vector<1xf32>
    %broadcast_in_dim3A_260 = vector.shape_cast %reduce_sum3A_259 : vector<1xf32> to vector<1x1xf32>
    %div3A_261 = arith.constant 1.280000e+02 : f32
    %div3A_262 = vector.broadcast %div3A_261 : f32 to vector<1x1xf32>
    %div3A_263 = arith.divf %broadcast_in_dim3A_260, %div3A_262 : vector<1x1xf32>
    %sub3A_264 = vector.broadcast %div3A_263 : vector<1x1xf32> to vector<1x128xf32>
    %sub3A_265 = arith.subf %slice3A_257, %sub3A_264 : vector<1x128xf32>
    %integer_pow3A = arith.mulf %sub3A_265, %sub3A_265 : vector<1x128xf32>
    %reduce_sum3A_266 = arith.constant dense<0.000000e+00> : vector<1xf32>
    %reduce_sum3A_267 = vector.multi_reduction <add>, %integer_pow3A, %reduce_sum3A_266 [1] : vector<1x128xf32> to vector<1xf32>
    %broadcast_in_dim3A_268 = vector.shape_cast %reduce_sum3A_267 : vector<1xf32> to vector<1x1xf32>
    %div3A_269 = arith.constant 1.280000e+02 : f32
    %div3A_270 = vector.broadcast %div3A_269 : f32 to vector<1x1xf32>
    %div3A_271 = arith.divf %broadcast_in_dim3A_268, %div3A_270 : vector<1x1xf32>
    %sub3A_272 = vector.broadcast %div3A_263 : vector<1x1xf32> to vector<1x128xf32>
    %sub3A_273 = arith.subf %slice3A_257, %sub3A_272 : vector<1x128xf32>
    %add3A_274 = arith.constant 9.99999974E-6 : f32
    %add3A_275 = vector.broadcast %add3A_274 : f32 to vector<1x1xf32>
    %add3A_276 = arith.addf %div3A_271, %add3A_275 : vector<1x1xf32>
    %sqrt3A = math.sqrt %add3A_276 : vector<1x1xf32>
    %div3A_277 = vector.broadcast %sqrt3A : vector<1x1xf32> to vector<1x128xf32>
    %div3A_278 = arith.divf %sub3A_273, %div3A_277 : vector<1x128xf32>
    %get3A_279 = arith.constant 0 : index
    %get3A_280 = arith.constant 0 : index
    %get3A_281 = vector.load %arg12[%get3A_279, %get3A_280] : memref<1x128xf32, #tpu.memory_space<vmem>>, vector<1x128xf32>
    %mul3A_282 = arith.mulf %div3A_278, %get3A_281 : vector<1x128xf32>
    %get3A_283 = arith.constant 0 : index
    %get3A_284 = arith.constant 0 : index
    %get3A_285 = vector.load %arg13[%get3A_283, %get3A_284] : memref<1x128xf32, #tpu.memory_space<vmem>>, vector<1x128xf32>
    %add3A_286 = arith.addf %mul3A_282, %get3A_285 : vector<1x128xf32>
    %swap3A = arith.constant 0 : index
    %swap3A_287 = arith.constant 0 : index
    %swap3A_288 = vector.load %arg14[%swap3A, %swap3A_287] : memref<1x128xf32, #tpu.memory_space<vmem>>, vector<1x128xf32>
    tpu.vector_store %arg14[%swap3A, %swap3A_287], %add3A_286 {strides = array<i32>} : memref<1x128xf32, #tpu.memory_space<vmem>>, vector<1x128xf32>,
    return
  }
}

module attributes {stable_mosaic.version = 14 : i64} {
  func.func @_sims_topk_kernel(%arg0: i32, %arg1: memref<1x128xf32, #tpu.memory_space<vmem>>, %arg2: memref<28672x128xf32, #tpu.memory_space<vmem>>, %arg3: memref<1x1x8xf32, #tpu.memory_space<smem>>, %arg4: memref<1x1x8xi32, #tpu.memory_space<smem>>, %arg5: memref<8xf32, #tpu.memory_space<smem>>) attributes {dimension_semantics = [#tpu.dimension_semantics<arbitrary>], iteration_bounds = array<i64: 35>, scalar_prefetch = 0 : i64, scratch_operands = 1 : i64, tpu.core_type = #tpu.core_type<tc>, window_params = [{pipeline_mode = #tpu.pipeline_mode<synchronous>, transform_indices = @transform_0, window_bounds = array<i64: 1, 128>}, {transform_indices = @transform_1, window_bounds = array<i64: 28672, 128>}, {transform_indices = @transform_2, window_bounds = array<i64: 1, 1, 8>}, {transform_indices = @transform_3, window_bounds = array<i64: 1, 1, 8>}]} {
    %eq3A = arith.constant 0 : i32
    %eq3A_0 = arith.cmpi eq, %arg0, %eq3A : i32
    %convert_element_type3A = arith.extui %eq3A_0 : i1 to i32
    %cond3A = arith.constant 0 : i32
    %cond3A_1 = arith.cmpi ne, %convert_element_type3A, %cond3A : i32
    scf.if %cond3A_1 {
      %swap3A = arith.constant -3.40282347E+38 : f32
      %swap3A_46 = arith.constant 0 : index
      %swap3A_47 = memref.load %arg5[%swap3A_46] : memref<8xf32, #tpu.memory_space<smem>>
      memref.store %swap3A, %arg5[%swap3A_46] : memref<8xf32, #tpu.memory_space<smem>>
      %swap3A_48 = arith.constant -3.40282347E+38 : f32
      %swap3A_49 = arith.constant 1 : index
      %swap3A_50 = memref.load %arg5[%swap3A_49] : memref<8xf32, #tpu.memory_space<smem>>
      memref.store %swap3A_48, %arg5[%swap3A_49] : memref<8xf32, #tpu.memory_space<smem>>
      %swap3A_51 = arith.constant -3.40282347E+38 : f32
      %swap3A_52 = arith.constant 2 : index
      %swap3A_53 = memref.load %arg5[%swap3A_52] : memref<8xf32, #tpu.memory_space<smem>>
      memref.store %swap3A_51, %arg5[%swap3A_52] : memref<8xf32, #tpu.memory_space<smem>>
      %swap3A_54 = arith.constant -3.40282347E+38 : f32
      %swap3A_55 = arith.constant 3 : index
      %swap3A_56 = memref.load %arg5[%swap3A_55] : memref<8xf32, #tpu.memory_space<smem>>
      memref.store %swap3A_54, %arg5[%swap3A_55] : memref<8xf32, #tpu.memory_space<smem>>
      %swap3A_57 = arith.constant -3.40282347E+38 : f32
      %swap3A_58 = arith.constant 4 : index
      %swap3A_59 = memref.load %arg5[%swap3A_58] : memref<8xf32, #tpu.memory_space<smem>>
      memref.store %swap3A_57, %arg5[%swap3A_58] : memref<8xf32, #tpu.memory_space<smem>>
      %swap3A_60 = arith.constant -3.40282347E+38 : f32
      %swap3A_61 = arith.constant 5 : index
      %swap3A_62 = memref.load %arg5[%swap3A_61] : memref<8xf32, #tpu.memory_space<smem>>
      memref.store %swap3A_60, %arg5[%swap3A_61] : memref<8xf32, #tpu.memory_space<smem>>
      %swap3A_63 = arith.constant -3.40282347E+38 : f32
      %swap3A_64 = arith.constant 6 : index
      %swap3A_65 = memref.load %arg5[%swap3A_64] : memref<8xf32, #tpu.memory_space<smem>>
      memref.store %swap3A_63, %arg5[%swap3A_64] : memref<8xf32, #tpu.memory_space<smem>>
      %swap3A_66 = arith.constant -3.40282347E+38 : f32
      %swap3A_67 = arith.constant 7 : index
      %swap3A_68 = memref.load %arg5[%swap3A_67] : memref<8xf32, #tpu.memory_space<smem>>
      memref.store %swap3A_66, %arg5[%swap3A_67] : memref<8xf32, #tpu.memory_space<smem>>
    } else {
    }
    %get3A = arith.constant 0 : index
    %get3A_2 = arith.constant 0 : index
    %get3A_3 = vector.load %arg1[%get3A, %get3A_2] : memref<1x128xf32, #tpu.memory_space<vmem>>, vector<1x128xf32>
    %mul3A = arith.mulf %get3A_3, %get3A_3 : vector<1x128xf32>
    %reduce_sum3A = vector.shape_cast %mul3A : vector<1x128xf32> to vector<1x1x128xf32>
    %reduce_sum3A_4 = arith.constant dense<0.000000e+00> : vector<1xf32>
    %reduce_sum3A_5 = vector.multi_reduction <add>, %reduce_sum3A, %reduce_sum3A_4 [1, 2] : vector<1x1x128xf32> to vector<1xf32>
    %reduce_sum3A_6 = vector.shape_cast %reduce_sum3A_5 : vector<1xf32> to vector<1x1x1xf32>
    %reduce_sum3A_7 = vector.extract %reduce_sum3A_6[0, 0, 0] : f32 from vector<1x1x1xf32>
    %sqrt3A = math.sqrt %reduce_sum3A_7 : f32
    %max3A = arith.constant 9.99999993E-9 : f32
    %max3A_8 = arith.maximumf %sqrt3A, %max3A : f32
    %div3A = vector.broadcast %max3A_8 : f32 to vector<1x128xf32>
    %div3A_9 = arith.divf %get3A_3, %div3A : vector<1x128xf32>
    %get3A_10 = arith.constant 0 : index
    %get3A_11 = arith.constant 0 : index
    %get3A_12 = vector.load %arg2[%get3A_10, %get3A_11] : memref<28672x128xf32, #tpu.memory_space<vmem>>, vector<28672x128xf32>
    %dot_general3A = arith.constant dense<0.000000e+00> : vector<1x28672xf32>
    %dot_general3A_13 = tpu.matmul %div3A_9, %get3A_12, %dot_general3A {dimension_numbers = #tpu.dot_dimension_numbers<[1], [1], [0], [0], [0, 0, 1, 0], [], []>, transpose_lhs_hint = false} : vector<1x128xf32>, vector<28672x128xf32>, vector<1x28672xf32> -> vector<1x28672xf32>
    %broadcast_in_dim3A = arith.constant 1.000000e+00 : f32
    %broadcast_in_dim3A_14 = vector.broadcast %broadcast_in_dim3A : f32 to vector<1x128xf32>
    %mul3A_15 = arith.mulf %get3A_12, %get3A_12 : vector<28672x128xf32>
    %dot_general3A_16 = arith.constant dense<0.000000e+00> : vector<1x28672xf32>
    %dot_general3A_17 = tpu.matmul %broadcast_in_dim3A_14, %mul3A_15, %dot_general3A_16 {dimension_numbers = #tpu.dot_dimension_numbers<[1], [1], [0], [0], [0, 0, 1, 0], [], []>, transpose_lhs_hint = false} : vector<1x128xf32>, vector<28672x128xf32>, vector<1x28672xf32> -> vector<1x28672xf32>
    %sqrt3A_18 = math.sqrt %dot_general3A_17 : vector<1x28672xf32>
    %max3A_19 = arith.constant 9.99999993E-9 : f32
    %max3A_20 = vector.broadcast %max3A_19 : f32 to vector<1x28672xf32>
    %max3A_21 = arith.maximumf %sqrt3A_18, %max3A_20 : vector<1x28672xf32>
    %div3A_22 = arith.divf %dot_general3A_13, %max3A_21 : vector<1x28672xf32>
    %reshape3A = vector.shape_cast %div3A_22 : vector<1x28672xf32> to vector<224x128xf32>
    %mul3A_23 = arith.constant 28672 : i32
    %mul3A_24 = arith.muli %arg0, %mul3A_23 : i32
    %iota3A = tpu.iota {dimensions = array<i32: 0>} : vector<224x128xi32>
    %mul3A_25 = arith.constant 128 : i32
    %mul3A_26 = vector.broadcast %mul3A_25 : i32 to vector<224x128xi32>
    %mul3A_27 = arith.muli %iota3A, %mul3A_26 : vector<224x128xi32>
    %add3A = vector.broadcast %mul3A_24 : i32 to vector<224x128xi32>
    %add3A_28 = arith.addi %add3A, %mul3A_27 : vector<224x128xi32>
    %iota3A_29 = tpu.iota {dimensions = array<i32: 1>} : vector<224x128xi32>
    %add3A_30 = arith.addi %add3A_28, %iota3A_29 : vector<224x128xi32>
    %lt3A = arith.constant 1000000 : i32
    %lt3A_31 = vector.broadcast %lt3A : i32 to vector<224x128xi32>
    %lt3A_32 = arith.cmpi slt, %add3A_30, %lt3A_31 : vector<224x128xi32>
    %jit3A = arith.constant -3.40282347E+38 : f32
    %broadcast_in_dim3A_33 = vector.broadcast %jit3A : f32 to vector<224x128xf32>
    %select_n3A = arith.select %lt3A_32, %reshape3A, %broadcast_in_dim3A_33 : vector<224x128xi1>, vector<224x128xf32>
    %reduce_max3A = vector.shape_cast %select_n3A : vector<224x128xf32> to vector<1x224x128xf32>
    %reduce_max3A_34 = arith.constant dense<0xFF800000> : vector<1xf32>
    %reduce_max3A_35 = vector.multi_reduction <maximumf>, %reduce_max3A, %reduce_max3A_34 [1, 2] : vector<1x224x128xf32> to vector<1xf32>
    %reduce_max3A_36 = vector.shape_cast %reduce_max3A_35 : vector<1xf32> to vector<1x1x1xf32>
    %reduce_max3A_37 = vector.extract %reduce_max3A_36[0, 0, 0] : f32 from vector<1x1x1xf32>
    %get3A_38 = arith.constant 7 : index
    %get3A_39 = memref.load %arg5[%get3A_38] : memref<8xf32, #tpu.memory_space<smem>>
    %gt3A = arith.cmpf ogt, %reduce_max3A_37, %get3A_39 : f32
    %convert_element_type3A_40 = arith.extui %gt3A : i1 to i32
    %cond3A_41 = arith.constant 0 : i32
    %cond3A_42 = arith.cmpi ne, %convert_element_type3A_40, %cond3A_41 : i32
    scf.if %cond3A_42 {
      %gt3A_46 = vector.broadcast %get3A_39 : f32 to vector<224x128xf32>
      %gt3A_47 = arith.cmpf ogt, %select_n3A, %gt3A_46 : vector<224x128xf32>
      %jit3A_48 = arith.constant 1 : i32
      %jit3A_49 = arith.constant 0 : i32
      %broadcast_in_dim3A_50 = vector.broadcast %jit3A_48 : i32 to vector<224x128xi32>
      %broadcast_in_dim3A_51 = vector.broadcast %jit3A_49 : i32 to vector<224x128xi32>
      %select_n3A_52 = arith.select %gt3A_47, %broadcast_in_dim3A_50, %broadcast_in_dim3A_51 : vector<224x128xi1>, vector<224x128xi32>
      %reduce_sum3A_53 = vector.shape_cast %select_n3A_52 : vector<224x128xi32> to vector<1x224x128xi32>
      %reduce_sum3A_54 = arith.constant dense<0> : vector<1xi32>
      %reduce_sum3A_55 = vector.multi_reduction <add>, %reduce_sum3A_53, %reduce_sum3A_54 [1, 2] : vector<1x224x128xi32> to vector<1xi32>
      %reduce_sum3A_56 = vector.shape_cast %reduce_sum3A_55 : vector<1xi32> to vector<1x1x1xi32>
      %reduce_sum3A_57 = vector.extract %reduce_sum3A_56[0, 0, 0] : i32 from vector<1x1x1xi32>
      %le3A_58 = arith.constant 3 : i32
      %le3A_59 = arith.cmpi sle, %reduce_sum3A_57, %le3A_58 : i32
      %convert_element_type3A_60 = arith.extui %le3A_59 : i1 to i32
      %cond3A_61 = arith.constant 2147483647 : i32
      %cond3A_62 = arith.constant 0 : i32
      %cond3A_63 = arith.cmpi ne, %convert_element_type3A_60, %cond3A_62 : i32
      scf.if %cond3A_63 {
        %eq3A_70 = vector.broadcast %reduce_max3A_37 : f32 to vector<224x128xf32>
        %eq3A_71 = arith.cmpf oeq, %select_n3A, %eq3A_70 : vector<224x128xf32>
        %broadcast_in_dim3A_72 = vector.broadcast %cond3A_61 : i32 to vector<224x128xi32>
        %select_n3A_73 = arith.select %eq3A_71, %add3A_30, %broadcast_in_dim3A_72 : vector<224x128xi1>, vector<224x128xi32>
        %reduce_min3A = vector.shape_cast %select_n3A_73 : vector<224x128xi32> to vector<1x224x128xi32>
        %reduce_min3A_74 = arith.constant dense<2147483647> : vector<1xi32>
        %reduce_min3A_75 = vector.multi_reduction <minsi>, %reduce_min3A, %reduce_min3A_74 [1, 2] : vector<1x224x128xi32> to vector<1xi32>
        %reduce_min3A_76 = vector.shape_cast %reduce_min3A_75 : vector<1xi32> to vector<1x1x1xi32>
        %reduce_min3A_77 = vector.extract %reduce_min3A_76[0, 0, 0] : i32 from vector<1x1x1xi32>
        %swap3A = arith.constant 0 : index
        %swap3A_78 = arith.constant 0 : index
        %swap3A_79 = arith.constant 0 : index
        %swap3A_80 = memref.load %arg3[%swap3A, %swap3A_78, %swap3A_79] : memref<1x1x8xf32, #tpu.memory_space<smem>>
        memref.store %reduce_max3A_37, %arg3[%swap3A, %swap3A_78, %swap3A_79] : memref<1x1x8xf32, #tpu.memory_space<smem>>
        %swap3A_81 = arith.constant 0 : index
        %swap3A_82 = arith.constant 0 : index
        %swap3A_83 = arith.constant 0 : index
        %swap3A_84 = memref.load %arg4[%swap3A_81, %swap3A_82, %swap3A_83] : memref<1x1x8xi32, #tpu.memory_space<smem>>
        memref.store %reduce_min3A_77, %arg4[%swap3A_81, %swap3A_82, %swap3A_83] : memref<1x1x8xi32, #tpu.memory_space<smem>>
        %eq3A_85 = vector.broadcast %reduce_min3A_77 : i32 to vector<224x128xi32>
        %eq3A_86 = arith.cmpi eq, %add3A_30, %eq3A_85 : vector<224x128xi32>
        %jit3A_87 = arith.constant -3.40282347E+38 : f32
        %broadcast_in_dim3A_88 = vector.broadcast %jit3A_87 : f32 to vector<224x128xf32>
        %select_n3A_89 = arith.select %eq3A_86, %broadcast_in_dim3A_88, %select_n3A : vector<224x128xi1>, vector<224x128xf32>
        %reduce_max3A_90 = vector.shape_cast %select_n3A_89 : vector<224x128xf32> to vector<1x224x128xf32>
        %reduce_max3A_91 = arith.constant dense<0xFF800000> : vector<1xf32>
        %reduce_max3A_92 = vector.multi_reduction <maximumf>, %reduce_max3A_90, %reduce_max3A_91 [1, 2] : vector<1x224x128xf32> to vector<1xf32>
        %reduce_max3A_93 = vector.shape_cast %reduce_max3A_92 : vector<1xf32> to vector<1x1x1xf32>
        %reduce_max3A_94 = vector.extract %reduce_max3A_93[0, 0, 0] : f32 from vector<1x1x1xf32>
        %eq3A_95 = vector.broadcast %reduce_max3A_94 : f32 to vector<224x128xf32>
        %eq3A_96 = arith.cmpf oeq, %select_n3A_89, %eq3A_95 : vector<224x128xf32>
        %broadcast_in_dim3A_97 = vector.broadcast %cond3A_61 : i32 to vector<224x128xi32>
        %select_n3A_98 = arith.select %eq3A_96, %add3A_30, %broadcast_in_dim3A_97 : vector<224x128xi1>, vector<224x128xi32>
        %reduce_min3A_99 = vector.shape_cast %select_n3A_98 : vector<224x128xi32> to vector<1x224x128xi32>
        %reduce_min3A_100 = arith.constant dense<2147483647> : vector<1xi32>
        %reduce_min3A_101 = vector.multi_reduction <minsi>, %reduce_min3A_99, %reduce_min3A_100 [1, 2] : vector<1x224x128xi32> to vector<1xi32>
        %reduce_min3A_102 = vector.shape_cast %reduce_min3A_101 : vector<1xi32> to vector<1x1x1xi32>
        %reduce_min3A_103 = vector.extract %reduce_min3A_102[0, 0, 0] : i32 from vector<1x1x1xi32>
        %swap3A_104 = arith.constant 0 : index
        %swap3A_105 = arith.constant 0 : index
        %swap3A_106 = arith.constant 1 : index
        %swap3A_107 = memref.load %arg3[%swap3A_104, %swap3A_105, %swap3A_106] : memref<1x1x8xf32, #tpu.memory_space<smem>>
        memref.store %reduce_max3A_94, %arg3[%swap3A_104, %swap3A_105, %swap3A_106] : memref<1x1x8xf32, #tpu.memory_space<smem>>
        %swap3A_108 = arith.constant 0 : index
        %swap3A_109 = arith.constant 0 : index
        %swap3A_110 = arith.constant 1 : index
        %swap3A_111 = memref.load %arg4[%swap3A_108, %swap3A_109, %swap3A_110] : memref<1x1x8xi32, #tpu.memory_space<smem>>
        memref.store %reduce_min3A_103, %arg4[%swap3A_108, %swap3A_109, %swap3A_110] : memref<1x1x8xi32, #tpu.memory_space<smem>>
        %eq3A_112 = vector.broadcast %reduce_min3A_103 : i32 to vector<224x128xi32>
        %eq3A_113 = arith.cmpi eq, %add3A_30, %eq3A_112 : vector<224x128xi32>
        %jit3A_114 = arith.constant -3.40282347E+38 : f32
        %broadcast_in_dim3A_115 = vector.broadcast %jit3A_114 : f32 to vector<224x128xf32>
        %select_n3A_116 = arith.select %eq3A_113, %broadcast_in_dim3A_115, %select_n3A_89 : vector<224x128xi1>, vector<224x128xf32>
        %reduce_max3A_117 = vector.shape_cast %select_n3A_116 : vector<224x128xf32> to vector<1x224x128xf32>
        %reduce_max3A_118 = arith.constant dense<0xFF800000> : vector<1xf32>
        %reduce_max3A_119 = vector.multi_reduction <maximumf>, %reduce_max3A_117, %reduce_max3A_118 [1, 2] : vector<1x224x128xf32> to vector<1xf32>
        %reduce_max3A_120 = vector.shape_cast %reduce_max3A_119 : vector<1xf32> to vector<1x1x1xf32>
        %reduce_max3A_121 = vector.extract %reduce_max3A_120[0, 0, 0] : f32 from vector<1x1x1xf32>
        %eq3A_122 = vector.broadcast %reduce_max3A_121 : f32 to vector<224x128xf32>
        %eq3A_123 = arith.cmpf oeq, %select_n3A_116, %eq3A_122 : vector<224x128xf32>
        %broadcast_in_dim3A_124 = vector.broadcast %cond3A_61 : i32 to vector<224x128xi32>
        %select_n3A_125 = arith.select %eq3A_123, %add3A_30, %broadcast_in_dim3A_124 : vector<224x128xi1>, vector<224x128xi32>
        %reduce_min3A_126 = vector.shape_cast %select_n3A_125 : vector<224x128xi32> to vector<1x224x128xi32>
        %reduce_min3A_127 = arith.constant dense<2147483647> : vector<1xi32>
        %reduce_min3A_128 = vector.multi_reduction <minsi>, %reduce_min3A_126, %reduce_min3A_127 [1, 2] : vector<1x224x128xi32> to vector<1xi32>
        %reduce_min3A_129 = vector.shape_cast %reduce_min3A_128 : vector<1xi32> to vector<1x1x1xi32>
        %reduce_min3A_130 = vector.extract %reduce_min3A_129[0, 0, 0] : i32 from vector<1x1x1xi32>
        %swap3A_131 = arith.constant 0 : index
        %swap3A_132 = arith.constant 0 : index
        %swap3A_133 = arith.constant 2 : index
        %swap3A_134 = memref.load %arg3[%swap3A_131, %swap3A_132, %swap3A_133] : memref<1x1x8xf32, #tpu.memory_space<smem>>
        memref.store %reduce_max3A_121, %arg3[%swap3A_131, %swap3A_132, %swap3A_133] : memref<1x1x8xf32, #tpu.memory_space<smem>>
        %swap3A_135 = arith.constant 0 : index
        %swap3A_136 = arith.constant 0 : index
        %swap3A_137 = arith.constant 2 : index
        %swap3A_138 = memref.load %arg4[%swap3A_135, %swap3A_136, %swap3A_137] : memref<1x1x8xi32, #tpu.memory_space<smem>>
        memref.store %reduce_min3A_130, %arg4[%swap3A_135, %swap3A_136, %swap3A_137] : memref<1x1x8xi32, #tpu.memory_space<smem>>
        %swap3A_139 = arith.constant -3.40282347E+38 : f32
        %swap3A_140 = arith.constant 0 : index
        %swap3A_141 = arith.constant 0 : index
        %swap3A_142 = arith.constant 3 : index
        %swap3A_143 = memref.load %arg3[%swap3A_140, %swap3A_141, %swap3A_142] : memref<1x1x8xf32, #tpu.memory_space<smem>>
        memref.store %swap3A_139, %arg3[%swap3A_140, %swap3A_141, %swap3A_142] : memref<1x1x8xf32, #tpu.memory_space<smem>>
        %swap3A_144 = arith.constant 0 : i32
        %swap3A_145 = arith.constant 0 : index
        %swap3A_146 = arith.constant 0 : index
        %swap3A_147 = arith.constant 3 : index
        %swap3A_148 = memref.load %arg4[%swap3A_145, %swap3A_146, %swap3A_147] : memref<1x1x8xi32, #tpu.memory_space<smem>>
        memref.store %swap3A_144, %arg4[%swap3A_145, %swap3A_146, %swap3A_147] : memref<1x1x8xi32, #tpu.memory_space<smem>>
        %swap3A_149 = arith.constant -3.40282347E+38 : f32
        %swap3A_150 = arith.constant 0 : index
        %swap3A_151 = arith.constant 0 : index
        %swap3A_152 = arith.constant 4 : index
        %swap3A_153 = memref.load %arg3[%swap3A_150, %swap3A_151, %swap3A_152] : memref<1x1x8xf32, #tpu.memory_space<smem>>
        memref.store %swap3A_149, %arg3[%swap3A_150, %swap3A_151, %swap3A_152] : memref<1x1x8xf32, #tpu.memory_space<smem>>
        %swap3A_154 = arith.constant 0 : i32
        %swap3A_155 = arith.constant 0 : index
        %swap3A_156 = arith.constant 0 : index
        %swap3A_157 = arith.constant 4 : index
        %swap3A_158 = memref.load %arg4[%swap3A_155, %swap3A_156, %swap3A_157] : memref<1x1x8xi32, #tpu.memory_space<smem>>
        memref.store %swap3A_154, %arg4[%swap3A_155, %swap3A_156, %swap3A_157] : memref<1x1x8xi32, #tpu.memory_space<smem>>
        %swap3A_159 = arith.constant -3.40282347E+38 : f32
        %swap3A_160 = arith.constant 0 : index
        %swap3A_161 = arith.constant 0 : index
        %swap3A_162 = arith.constant 5 : index
        %swap3A_163 = memref.load %arg3[%swap3A_160, %swap3A_161, %swap3A_162] : memref<1x1x8xf32, #tpu.memory_space<smem>>
        memref.store %swap3A_159, %arg3[%swap3A_160, %swap3A_161, %swap3A_162] : memref<1x1x8xf32, #tpu.memory_space<smem>>
        %swap3A_164 = arith.constant 0 : i32
        %swap3A_165 = arith.constant 0 : index
        %swap3A_166 = arith.constant 0 : index
        %swap3A_167 = arith.constant 5 : index
        %swap3A_168 = memref.load %arg4[%swap3A_165, %swap3A_166, %swap3A_167] : memref<1x1x8xi32, #tpu.memory_space<smem>>
        memref.store %swap3A_164, %arg4[%swap3A_165, %swap3A_166, %swap3A_167] : memref<1x1x8xi32, #tpu.memory_space<smem>>
        %swap3A_169 = arith.constant -3.40282347E+38 : f32
        %swap3A_170 = arith.constant 0 : index
        %swap3A_171 = arith.constant 0 : index
        %swap3A_172 = arith.constant 6 : index
        %swap3A_173 = memref.load %arg3[%swap3A_170, %swap3A_171, %swap3A_172] : memref<1x1x8xf32, #tpu.memory_space<smem>>
        memref.store %swap3A_169, %arg3[%swap3A_170, %swap3A_171, %swap3A_172] : memref<1x1x8xf32, #tpu.memory_space<smem>>
        %swap3A_174 = arith.constant 0 : i32
        %swap3A_175 = arith.constant 0 : index
        %swap3A_176 = arith.constant 0 : index
        %swap3A_177 = arith.constant 6 : index
        %swap3A_178 = memref.load %arg4[%swap3A_175, %swap3A_176, %swap3A_177] : memref<1x1x8xi32, #tpu.memory_space<smem>>
        memref.store %swap3A_174, %arg4[%swap3A_175, %swap3A_176, %swap3A_177] : memref<1x1x8xi32, #tpu.memory_space<smem>>
        %swap3A_179 = arith.constant -3.40282347E+38 : f32
        %swap3A_180 = arith.constant 0 : index
        %swap3A_181 = arith.constant 0 : index
        %swap3A_182 = arith.constant 7 : index
        %swap3A_183 = memref.load %arg3[%swap3A_180, %swap3A_181, %swap3A_182] : memref<1x1x8xf32, #tpu.memory_space<smem>>
        memref.store %swap3A_179, %arg3[%swap3A_180, %swap3A_181, %swap3A_182] : memref<1x1x8xf32, #tpu.memory_space<smem>>
        %swap3A_184 = arith.constant 0 : i32
        %swap3A_185 = arith.constant 0 : index
        %swap3A_186 = arith.constant 0 : index
        %swap3A_187 = arith.constant 7 : index
        %swap3A_188 = memref.load %arg4[%swap3A_185, %swap3A_186, %swap3A_187] : memref<1x1x8xi32, #tpu.memory_space<smem>>
        memref.store %swap3A_184, %arg4[%swap3A_185, %swap3A_186, %swap3A_187] : memref<1x1x8xi32, #tpu.memory_space<smem>>
        %get3A_189 = arith.constant 0 : index
        %get3A_190 = memref.load %arg5[%get3A_189] : memref<8xf32, #tpu.memory_space<smem>>
        %max3A_191 = arith.constant -3.40282347E+38 : f32
        %max3A_192 = arith.maximumf %get3A_190, %max3A_191 : f32
        %get3A_193 = arith.constant 1 : index
        %get3A_194 = memref.load %arg5[%get3A_193] : memref<8xf32, #tpu.memory_space<smem>>
        %max3A_195 = arith.constant -3.40282347E+38 : f32
        %max3A_196 = arith.maximumf %get3A_194, %max3A_195 : f32
        %get3A_197 = arith.constant 2 : index
        %get3A_198 = memref.load %arg5[%get3A_197] : memref<8xf32, #tpu.memory_space<smem>>
        %max3A_199 = arith.constant -3.40282347E+38 : f32
        %max3A_200 = arith.maximumf %get3A_198, %max3A_199 : f32
        %get3A_201 = arith.constant 3 : index
        %get3A_202 = memref.load %arg5[%get3A_201] : memref<8xf32, #tpu.memory_space<smem>>
        %max3A_203 = arith.constant -3.40282347E+38 : f32
        %max3A_204 = arith.maximumf %get3A_202, %max3A_203 : f32
        %get3A_205 = arith.constant 4 : index
        %get3A_206 = memref.load %arg5[%get3A_205] : memref<8xf32, #tpu.memory_space<smem>>
        %max3A_207 = arith.constant -3.40282347E+38 : f32
        %max3A_208 = arith.maximumf %get3A_206, %max3A_207 : f32
        %get3A_209 = arith.constant 5 : index
        %get3A_210 = memref.load %arg5[%get3A_209] : memref<8xf32, #tpu.memory_space<smem>>
        %max3A_211 = arith.maximumf %get3A_210, %reduce_max3A_121 : f32
        %get3A_212 = arith.constant 6 : index
        %get3A_213 = memref.load %arg5[%get3A_212] : memref<8xf32, #tpu.memory_space<smem>>
        %max3A_214 = arith.maximumf %get3A_213, %reduce_max3A_94 : f32
        %get3A_215 = arith.constant 7 : index
        %get3A_216 = memref.load %arg5[%get3A_215] : memref<8xf32, #tpu.memory_space<smem>>
        %max3A_217 = arith.maximumf %get3A_216, %reduce_max3A_37 : f32
        %max3A_218 = arith.maximumf %max3A_192, %max3A_208 : f32
        %min3A = arith.minimumf %max3A_192, %max3A_208 : f32
        %max3A_219 = arith.maximumf %max3A_196, %max3A_211 : f32
        %min3A_220 = arith.minimumf %max3A_196, %max3A_211 : f32
        %max3A_221 = arith.maximumf %max3A_200, %max3A_214 : f32
        %min3A_222 = arith.minimumf %max3A_200, %max3A_214 : f32
        %max3A_223 = arith.maximumf %max3A_204, %max3A_217 : f32
        %min3A_224 = arith.minimumf %max3A_204, %max3A_217 : f32
        %max3A_225 = arith.maximumf %max3A_218, %max3A_221 : f32
        %min3A_226 = arith.minimumf %max3A_218, %max3A_221 : f32
        %max3A_227 = arith.maximumf %max3A_219, %max3A_223 : f32
        %min3A_228 = arith.minimumf %max3A_219, %max3A_223 : f32
        %max3A_229 = arith.maximumf %min3A, %min3A_222 : f32
        %min3A_230 = arith.minimumf %min3A, %min3A_222 : f32
        %max3A_231 = arith.maximumf %min3A_220, %min3A_224 : f32
        %min3A_232 = arith.minimumf %min3A_220, %min3A_224 : f32
        %max3A_233 = arith.maximumf %max3A_225, %max3A_227 : f32
        %min3A_234 = arith.minimumf %max3A_225, %max3A_227 : f32
        %max3A_235 = arith.maximumf %min3A_226, %min3A_228 : f32
        %min3A_236 = arith.minimumf %min3A_226, %min3A_228 : f32
        %max3A_237 = arith.maximumf %max3A_229, %max3A_231 : f32
        %min3A_238 = arith.minimumf %max3A_229, %max3A_231 : f32
        %max3A_239 = arith.maximumf %min3A_230, %min3A_232 : f32
        %min3A_240 = arith.minimumf %min3A_230, %min3A_232 : f32
        %swap3A_241 = arith.constant 0 : index
        %swap3A_242 = memref.load %arg5[%swap3A_241] : memref<8xf32, #tpu.memory_space<smem>>
        memref.store %max3A_233, %arg5[%swap3A_241] : memref<8xf32, #tpu.memory_space<smem>>
        %swap3A_243 = arith.constant 1 : index
        %swap3A_244 = memref.load %arg5[%swap3A_243] : memref<8xf32, #tpu.memory_space<smem>>
        memref.store %min3A_234, %arg5[%swap3A_243] : memref<8xf32, #tpu.memory_space<smem>>
        %swap3A_245 = arith.constant 2 : index
        %swap3A_246 = memref.load %arg5[%swap3A_245] : memref<8xf32, #tpu.memory_space<smem>>
        memref.store %max3A_235, %arg5[%swap3A_245] : memref<8xf32, #tpu.memory_space<smem>>
        %swap3A_247 = arith.constant 3 : index
        %swap3A_248 = memref.load %arg5[%swap3A_247] : memref<8xf32, #tpu.memory_space<smem>>
        memref.store %min3A_236, %arg5[%swap3A_247] : memref<8xf32, #tpu.memory_space<smem>>
        %swap3A_249 = arith.constant 4 : index
        %swap3A_250 = memref.load %arg5[%swap3A_249] : memref<8xf32, #tpu.memory_space<smem>>
        memref.store %max3A_237, %arg5[%swap3A_249] : memref<8xf32, #tpu.memory_space<smem>>
        %swap3A_251 = arith.constant 5 : index
        %swap3A_252 = memref.load %arg5[%swap3A_251] : memref<8xf32, #tpu.memory_space<smem>>
        memref.store %min3A_238, %arg5[%swap3A_251] : memref<8xf32, #tpu.memory_space<smem>>
        %swap3A_253 = arith.constant 6 : index
        %swap3A_254 = memref.load %arg5[%swap3A_253] : memref<8xf32, #tpu.memory_space<smem>>
        memref.store %max3A_239, %arg5[%swap3A_253] : memref<8xf32, #tpu.memory_space<smem>>
        %swap3A_255 = arith.constant 7 : index
        %swap3A_256 = memref.load %arg5[%swap3A_255] : memref<8xf32, #tpu.memory_space<smem>>
        memref.store %min3A_240, %arg5[%swap3A_255] : memref<8xf32, #tpu.memory_space<smem>>
      } else {
      }
      %gt3A_64 = arith.constant 3 : i32
      %gt3A_65 = arith.cmpi sgt, %reduce_sum3A_57, %gt3A_64 : i32
      %convert_element_type3A_66 = arith.extui %gt3A_65 : i1 to i32
      %cond3A_67 = arith.constant 2147483647 : i32
      %cond3A_68 = arith.constant 0 : i32
      %cond3A_69 = arith.cmpi ne, %convert_element_type3A_66, %cond3A_68 : i32
      scf.if %cond3A_69 {
        %eq3A_70 = vector.broadcast %reduce_max3A_37 : f32 to vector<224x128xf32>
        %eq3A_71 = arith.cmpf oeq, %select_n3A, %eq3A_70 : vector<224x128xf32>
        %broadcast_in_dim3A_72 = vector.broadcast %cond3A_67 : i32 to vector<224x128xi32>
        %select_n3A_73 = arith.select %eq3A_71, %add3A_30, %broadcast_in_dim3A_72 : vector<224x128xi1>, vector<224x128xi32>
        %reduce_min3A = vector.shape_cast %select_n3A_73 : vector<224x128xi32> to vector<1x224x128xi32>
        %reduce_min3A_74 = arith.constant dense<2147483647> : vector<1xi32>
        %reduce_min3A_75 = vector.multi_reduction <minsi>, %reduce_min3A, %reduce_min3A_74 [1, 2] : vector<1x224x128xi32> to vector<1xi32>
        %reduce_min3A_76 = vector.shape_cast %reduce_min3A_75 : vector<1xi32> to vector<1x1x1xi32>
        %reduce_min3A_77 = vector.extract %reduce_min3A_76[0, 0, 0] : i32 from vector<1x1x1xi32>
        %swap3A = arith.constant 0 : index
        %swap3A_78 = arith.constant 0 : index
        %swap3A_79 = arith.constant 0 : index
        %swap3A_80 = memref.load %arg3[%swap3A, %swap3A_78, %swap3A_79] : memref<1x1x8xf32, #tpu.memory_space<smem>>
        memref.store %reduce_max3A_37, %arg3[%swap3A, %swap3A_78, %swap3A_79] : memref<1x1x8xf32, #tpu.memory_space<smem>>
        %swap3A_81 = arith.constant 0 : index
        %swap3A_82 = arith.constant 0 : index
        %swap3A_83 = arith.constant 0 : index
        %swap3A_84 = memref.load %arg4[%swap3A_81, %swap3A_82, %swap3A_83] : memref<1x1x8xi32, #tpu.memory_space<smem>>
        memref.store %reduce_min3A_77, %arg4[%swap3A_81, %swap3A_82, %swap3A_83] : memref<1x1x8xi32, #tpu.memory_space<smem>>
        %eq3A_85 = vector.broadcast %reduce_min3A_77 : i32 to vector<224x128xi32>
        %eq3A_86 = arith.cmpi eq, %add3A_30, %eq3A_85 : vector<224x128xi32>
        %jit3A_87 = arith.constant -3.40282347E+38 : f32
        %broadcast_in_dim3A_88 = vector.broadcast %jit3A_87 : f32 to vector<224x128xf32>
        %select_n3A_89 = arith.select %eq3A_86, %broadcast_in_dim3A_88, %select_n3A : vector<224x128xi1>, vector<224x128xf32>
        %reduce_max3A_90 = vector.shape_cast %select_n3A_89 : vector<224x128xf32> to vector<1x224x128xf32>
        %reduce_max3A_91 = arith.constant dense<0xFF800000> : vector<1xf32>
        %reduce_max3A_92 = vector.multi_reduction <maximumf>, %reduce_max3A_90, %reduce_max3A_91 [1, 2] : vector<1x224x128xf32> to vector<1xf32>
        %reduce_max3A_93 = vector.shape_cast %reduce_max3A_92 : vector<1xf32> to vector<1x1x1xf32>
        %reduce_max3A_94 = vector.extract %reduce_max3A_93[0, 0, 0] : f32 from vector<1x1x1xf32>
        %eq3A_95 = vector.broadcast %reduce_max3A_94 : f32 to vector<224x128xf32>
        %eq3A_96 = arith.cmpf oeq, %select_n3A_89, %eq3A_95 : vector<224x128xf32>
        %broadcast_in_dim3A_97 = vector.broadcast %cond3A_67 : i32 to vector<224x128xi32>
        %select_n3A_98 = arith.select %eq3A_96, %add3A_30, %broadcast_in_dim3A_97 : vector<224x128xi1>, vector<224x128xi32>
        %reduce_min3A_99 = vector.shape_cast %select_n3A_98 : vector<224x128xi32> to vector<1x224x128xi32>
        %reduce_min3A_100 = arith.constant dense<2147483647> : vector<1xi32>
        %reduce_min3A_101 = vector.multi_reduction <minsi>, %reduce_min3A_99, %reduce_min3A_100 [1, 2] : vector<1x224x128xi32> to vector<1xi32>
        %reduce_min3A_102 = vector.shape_cast %reduce_min3A_101 : vector<1xi32> to vector<1x1x1xi32>
        %reduce_min3A_103 = vector.extract %reduce_min3A_102[0, 0, 0] : i32 from vector<1x1x1xi32>
        %swap3A_104 = arith.constant 0 : index
        %swap3A_105 = arith.constant 0 : index
        %swap3A_106 = arith.constant 1 : index
        %swap3A_107 = memref.load %arg3[%swap3A_104, %swap3A_105, %swap3A_106] : memref<1x1x8xf32, #tpu.memory_space<smem>>
        memref.store %reduce_max3A_94, %arg3[%swap3A_104, %swap3A_105, %swap3A_106] : memref<1x1x8xf32, #tpu.memory_space<smem>>
        %swap3A_108 = arith.constant 0 : index
        %swap3A_109 = arith.constant 0 : index
        %swap3A_110 = arith.constant 1 : index
        %swap3A_111 = memref.load %arg4[%swap3A_108, %swap3A_109, %swap3A_110] : memref<1x1x8xi32, #tpu.memory_space<smem>>
        memref.store %reduce_min3A_103, %arg4[%swap3A_108, %swap3A_109, %swap3A_110] : memref<1x1x8xi32, #tpu.memory_space<smem>>
        %eq3A_112 = vector.broadcast %reduce_min3A_103 : i32 to vector<224x128xi32>
        %eq3A_113 = arith.cmpi eq, %add3A_30, %eq3A_112 : vector<224x128xi32>
        %jit3A_114 = arith.constant -3.40282347E+38 : f32
        %broadcast_in_dim3A_115 = vector.broadcast %jit3A_114 : f32 to vector<224x128xf32>
        %select_n3A_116 = arith.select %eq3A_113, %broadcast_in_dim3A_115, %select_n3A_89 : vector<224x128xi1>, vector<224x128xf32>
        %reduce_max3A_117 = vector.shape_cast %select_n3A_116 : vector<224x128xf32> to vector<1x224x128xf32>
        %reduce_max3A_118 = arith.constant dense<0xFF800000> : vector<1xf32>
        %reduce_max3A_119 = vector.multi_reduction <maximumf>, %reduce_max3A_117, %reduce_max3A_118 [1, 2] : vector<1x224x128xf32> to vector<1xf32>
        %reduce_max3A_120 = vector.shape_cast %reduce_max3A_119 : vector<1xf32> to vector<1x1x1xf32>
        %reduce_max3A_121 = vector.extract %reduce_max3A_120[0, 0, 0] : f32 from vector<1x1x1xf32>
        %eq3A_122 = vector.broadcast %reduce_max3A_121 : f32 to vector<224x128xf32>
        %eq3A_123 = arith.cmpf oeq, %select_n3A_116, %eq3A_122 : vector<224x128xf32>
        %broadcast_in_dim3A_124 = vector.broadcast %cond3A_67 : i32 to vector<224x128xi32>
        %select_n3A_125 = arith.select %eq3A_123, %add3A_30, %broadcast_in_dim3A_124 : vector<224x128xi1>, vector<224x128xi32>
        %reduce_min3A_126 = vector.shape_cast %select_n3A_125 : vector<224x128xi32> to vector<1x224x128xi32>
        %reduce_min3A_127 = arith.constant dense<2147483647> : vector<1xi32>
        %reduce_min3A_128 = vector.multi_reduction <minsi>, %reduce_min3A_126, %reduce_min3A_127 [1, 2] : vector<1x224x128xi32> to vector<1xi32>
        %reduce_min3A_129 = vector.shape_cast %reduce_min3A_128 : vector<1xi32> to vector<1x1x1xi32>
        %reduce_min3A_130 = vector.extract %reduce_min3A_129[0, 0, 0] : i32 from vector<1x1x1xi32>
        %swap3A_131 = arith.constant 0 : index
        %swap3A_132 = arith.constant 0 : index
        %swap3A_133 = arith.constant 2 : index
        %swap3A_134 = memref.load %arg3[%swap3A_131, %swap3A_132, %swap3A_133] : memref<1x1x8xf32, #tpu.memory_space<smem>>
        memref.store %reduce_max3A_121, %arg3[%swap3A_131, %swap3A_132, %swap3A_133] : memref<1x1x8xf32, #tpu.memory_space<smem>>
        %swap3A_135 = arith.constant 0 : index
        %swap3A_136 = arith.constant 0 : index
        %swap3A_137 = arith.constant 2 : index
        %swap3A_138 = memref.load %arg4[%swap3A_135, %swap3A_136, %swap3A_137] : memref<1x1x8xi32, #tpu.memory_space<smem>>
        memref.store %reduce_min3A_130, %arg4[%swap3A_135, %swap3A_136, %swap3A_137] : memref<1x1x8xi32, #tpu.memory_space<smem>>
        %eq3A_139 = vector.broadcast %reduce_min3A_130 : i32 to vector<224x128xi32>
        %eq3A_140 = arith.cmpi eq, %add3A_30, %eq3A_139 : vector<224x128xi32>
        %jit3A_141 = arith.constant -3.40282347E+38 : f32
        %broadcast_in_dim3A_142 = vector.broadcast %jit3A_141 : f32 to vector<224x128xf32>
        %select_n3A_143 = arith.select %eq3A_140, %broadcast_in_dim3A_142, %select_n3A_116 : vector<224x128xi1>, vector<224x128xf32>
        %reduce_max3A_144 = vector.shape_cast %select_n3A_143 : vector<224x128xf32> to vector<1x224x128xf32>
        %reduce_max3A_145 = arith.constant dense<0xFF800000> : vector<1xf32>
        %reduce_max3A_146 = vector.multi_reduction <maximumf>, %reduce_max3A_144, %reduce_max3A_145 [1, 2] : vector<1x224x128xf32> to vector<1xf32>
        %reduce_max3A_147 = vector.shape_cast %reduce_max3A_146 : vector<1xf32> to vector<1x1x1xf32>
        %reduce_max3A_148 = vector.extract %reduce_max3A_147[0, 0, 0] : f32 from vector<1x1x1xf32>
        %eq3A_149 = vector.broadcast %reduce_max3A_148 : f32 to vector<224x128xf32>
        %eq3A_150 = arith.cmpf oeq, %select_n3A_143, %eq3A_149 : vector<224x128xf32>
        %broadcast_in_dim3A_151 = vector.broadcast %cond3A_67 : i32 to vector<224x128xi32>
        %select_n3A_152 = arith.select %eq3A_150, %add3A_30, %broadcast_in_dim3A_151 : vector<224x128xi1>, vector<224x128xi32>
        %reduce_min3A_153 = vector.shape_cast %select_n3A_152 : vector<224x128xi32> to vector<1x224x128xi32>
        %reduce_min3A_154 = arith.constant dense<2147483647> : vector<1xi32>
        %reduce_min3A_155 = vector.multi_reduction <minsi>, %reduce_min3A_153, %reduce_min3A_154 [1, 2] : vector<1x224x128xi32> to vector<1xi32>
        %reduce_min3A_156 = vector.shape_cast %reduce_min3A_155 : vector<1xi32> to vector<1x1x1xi32>
        %reduce_min3A_157 = vector.extract %reduce_min3A_156[0, 0, 0] : i32 from vector<1x1x1xi32>
        %swap3A_158 = arith.constant 0 : index
        %swap3A_159 = arith.constant 0 : index
        %swap3A_160 = arith.constant 3 : index
        %swap3A_161 = memref.load %arg3[%swap3A_158, %swap3A_159, %swap3A_160] : memref<1x1x8xf32, #tpu.memory_space<smem>>
        memref.store %reduce_max3A_148, %arg3[%swap3A_158, %swap3A_159, %swap3A_160] : memref<1x1x8xf32, #tpu.memory_space<smem>>
        %swap3A_162 = arith.constant 0 : index
        %swap3A_163 = arith.constant 0 : index
        %swap3A_164 = arith.constant 3 : index
        %swap3A_165 = memref.load %arg4[%swap3A_162, %swap3A_163, %swap3A_164] : memref<1x1x8xi32, #tpu.memory_space<smem>>
        memref.store %reduce_min3A_157, %arg4[%swap3A_162, %swap3A_163, %swap3A_164] : memref<1x1x8xi32, #tpu.memory_space<smem>>
        %eq3A_166 = vector.broadcast %reduce_min3A_157 : i32 to vector<224x128xi32>
        %eq3A_167 = arith.cmpi eq, %add3A_30, %eq3A_166 : vector<224x128xi32>
        %jit3A_168 = arith.constant -3.40282347E+38 : f32
        %broadcast_in_dim3A_169 = vector.broadcast %jit3A_168 : f32 to vector<224x128xf32>
        %select_n3A_170 = arith.select %eq3A_167, %broadcast_in_dim3A_169, %select_n3A_143 : vector<224x128xi1>, vector<224x128xf32>
        %reduce_max3A_171 = vector.shape_cast %select_n3A_170 : vector<224x128xf32> to vector<1x224x128xf32>
        %reduce_max3A_172 = arith.constant dense<0xFF800000> : vector<1xf32>
        %reduce_max3A_173 = vector.multi_reduction <maximumf>, %reduce_max3A_171, %reduce_max3A_172 [1, 2] : vector<1x224x128xf32> to vector<1xf32>
        %reduce_max3A_174 = vector.shape_cast %reduce_max3A_173 : vector<1xf32> to vector<1x1x1xf32>
        %reduce_max3A_175 = vector.extract %reduce_max3A_174[0, 0, 0] : f32 from vector<1x1x1xf32>
        %eq3A_176 = vector.broadcast %reduce_max3A_175 : f32 to vector<224x128xf32>
        %eq3A_177 = arith.cmpf oeq, %select_n3A_170, %eq3A_176 : vector<224x128xf32>
        %broadcast_in_dim3A_178 = vector.broadcast %cond3A_67 : i32 to vector<224x128xi32>
        %select_n3A_179 = arith.select %eq3A_177, %add3A_30, %broadcast_in_dim3A_178 : vector<224x128xi1>, vector<224x128xi32>
        %reduce_min3A_180 = vector.shape_cast %select_n3A_179 : vector<224x128xi32> to vector<1x224x128xi32>
        %reduce_min3A_181 = arith.constant dense<2147483647> : vector<1xi32>
        %reduce_min3A_182 = vector.multi_reduction <minsi>, %reduce_min3A_180, %reduce_min3A_181 [1, 2] : vector<1x224x128xi32> to vector<1xi32>
        %reduce_min3A_183 = vector.shape_cast %reduce_min3A_182 : vector<1xi32> to vector<1x1x1xi32>
        %reduce_min3A_184 = vector.extract %reduce_min3A_183[0, 0, 0] : i32 from vector<1x1x1xi32>
        %swap3A_185 = arith.constant 0 : index
        %swap3A_186 = arith.constant 0 : index
        %swap3A_187 = arith.constant 4 : index
        %swap3A_188 = memref.load %arg3[%swap3A_185, %swap3A_186, %swap3A_187] : memref<1x1x8xf32, #tpu.memory_space<smem>>
        memref.store %reduce_max3A_175, %arg3[%swap3A_185, %swap3A_186, %swap3A_187] : memref<1x1x8xf32, #tpu.memory_space<smem>>
        %swap3A_189 = arith.constant 0 : index
        %swap3A_190 = arith.constant 0 : index
        %swap3A_191 = arith.constant 4 : index
        %swap3A_192 = memref.load %arg4[%swap3A_189, %swap3A_190, %swap3A_191] : memref<1x1x8xi32, #tpu.memory_space<smem>>
        memref.store %reduce_min3A_184, %arg4[%swap3A_189, %swap3A_190, %swap3A_191] : memref<1x1x8xi32, #tpu.memory_space<smem>>
        %eq3A_193 = vector.broadcast %reduce_min3A_184 : i32 to vector<224x128xi32>
        %eq3A_194 = arith.cmpi eq, %add3A_30, %eq3A_193 : vector<224x128xi32>
        %jit3A_195 = arith.constant -3.40282347E+38 : f32
        %broadcast_in_dim3A_196 = vector.broadcast %jit3A_195 : f32 to vector<224x128xf32>
        %select_n3A_197 = arith.select %eq3A_194, %broadcast_in_dim3A_196, %select_n3A_170 : vector<224x128xi1>, vector<224x128xf32>
        %reduce_max3A_198 = vector.shape_cast %select_n3A_197 : vector<224x128xf32> to vector<1x224x128xf32>
        %reduce_max3A_199 = arith.constant dense<0xFF800000> : vector<1xf32>
        %reduce_max3A_200 = vector.multi_reduction <maximumf>, %reduce_max3A_198, %reduce_max3A_199 [1, 2] : vector<1x224x128xf32> to vector<1xf32>
        %reduce_max3A_201 = vector.shape_cast %reduce_max3A_200 : vector<1xf32> to vector<1x1x1xf32>
        %reduce_max3A_202 = vector.extract %reduce_max3A_201[0, 0, 0] : f32 from vector<1x1x1xf32>
        %eq3A_203 = vector.broadcast %reduce_max3A_202 : f32 to vector<224x128xf32>
        %eq3A_204 = arith.cmpf oeq, %select_n3A_197, %eq3A_203 : vector<224x128xf32>
        %broadcast_in_dim3A_205 = vector.broadcast %cond3A_67 : i32 to vector<224x128xi32>
        %select_n3A_206 = arith.select %eq3A_204, %add3A_30, %broadcast_in_dim3A_205 : vector<224x128xi1>, vector<224x128xi32>
        %reduce_min3A_207 = vector.shape_cast %select_n3A_206 : vector<224x128xi32> to vector<1x224x128xi32>
        %reduce_min3A_208 = arith.constant dense<2147483647> : vector<1xi32>
        %reduce_min3A_209 = vector.multi_reduction <minsi>, %reduce_min3A_207, %reduce_min3A_208 [1, 2] : vector<1x224x128xi32> to vector<1xi32>
        %reduce_min3A_210 = vector.shape_cast %reduce_min3A_209 : vector<1xi32> to vector<1x1x1xi32>
        %reduce_min3A_211 = vector.extract %reduce_min3A_210[0, 0, 0] : i32 from vector<1x1x1xi32>
        %swap3A_212 = arith.constant 0 : index
        %swap3A_213 = arith.constant 0 : index
        %swap3A_214 = arith.constant 5 : index
        %swap3A_215 = memref.load %arg3[%swap3A_212, %swap3A_213, %swap3A_214] : memref<1x1x8xf32, #tpu.memory_space<smem>>
        memref.store %reduce_max3A_202, %arg3[%swap3A_212, %swap3A_213, %swap3A_214] : memref<1x1x8xf32, #tpu.memory_space<smem>>
        %swap3A_216 = arith.constant 0 : index
        %swap3A_217 = arith.constant 0 : index
        %swap3A_218 = arith.constant 5 : index
        %swap3A_219 = memref.load %arg4[%swap3A_216, %swap3A_217, %swap3A_218] : memref<1x1x8xi32, #tpu.memory_space<smem>>
        memref.store %reduce_min3A_211, %arg4[%swap3A_216, %swap3A_217, %swap3A_218] : memref<1x1x8xi32, #tpu.memory_space<smem>>
        %eq3A_220 = vector.broadcast %reduce_min3A_211 : i32 to vector<224x128xi32>
        %eq3A_221 = arith.cmpi eq, %add3A_30, %eq3A_220 : vector<224x128xi32>
        %jit3A_222 = arith.constant -3.40282347E+38 : f32
        %broadcast_in_dim3A_223 = vector.broadcast %jit3A_222 : f32 to vector<224x128xf32>
        %select_n3A_224 = arith.select %eq3A_221, %broadcast_in_dim3A_223, %select_n3A_197 : vector<224x128xi1>, vector<224x128xf32>
        %reduce_max3A_225 = vector.shape_cast %select_n3A_224 : vector<224x128xf32> to vector<1x224x128xf32>
        %reduce_max3A_226 = arith.constant dense<0xFF800000> : vector<1xf32>
        %reduce_max3A_227 = vector.multi_reduction <maximumf>, %reduce_max3A_225, %reduce_max3A_226 [1, 2] : vector<1x224x128xf32> to vector<1xf32>
        %reduce_max3A_228 = vector.shape_cast %reduce_max3A_227 : vector<1xf32> to vector<1x1x1xf32>
        %reduce_max3A_229 = vector.extract %reduce_max3A_228[0, 0, 0] : f32 from vector<1x1x1xf32>
        %eq3A_230 = vector.broadcast %reduce_max3A_229 : f32 to vector<224x128xf32>
        %eq3A_231 = arith.cmpf oeq, %select_n3A_224, %eq3A_230 : vector<224x128xf32>
        %broadcast_in_dim3A_232 = vector.broadcast %cond3A_67 : i32 to vector<224x128xi32>
        %select_n3A_233 = arith.select %eq3A_231, %add3A_30, %broadcast_in_dim3A_232 : vector<224x128xi1>, vector<224x128xi32>
        %reduce_min3A_234 = vector.shape_cast %select_n3A_233 : vector<224x128xi32> to vector<1x224x128xi32>
        %reduce_min3A_235 = arith.constant dense<2147483647> : vector<1xi32>
        %reduce_min3A_236 = vector.multi_reduction <minsi>, %reduce_min3A_234, %reduce_min3A_235 [1, 2] : vector<1x224x128xi32> to vector<1xi32>
        %reduce_min3A_237 = vector.shape_cast %reduce_min3A_236 : vector<1xi32> to vector<1x1x1xi32>
        %reduce_min3A_238 = vector.extract %reduce_min3A_237[0, 0, 0] : i32 from vector<1x1x1xi32>
        %swap3A_239 = arith.constant 0 : index
        %swap3A_240 = arith.constant 0 : index
        %swap3A_241 = arith.constant 6 : index
        %swap3A_242 = memref.load %arg3[%swap3A_239, %swap3A_240, %swap3A_241] : memref<1x1x8xf32, #tpu.memory_space<smem>>
        memref.store %reduce_max3A_229, %arg3[%swap3A_239, %swap3A_240, %swap3A_241] : memref<1x1x8xf32, #tpu.memory_space<smem>>
        %swap3A_243 = arith.constant 0 : index
        %swap3A_244 = arith.constant 0 : index
        %swap3A_245 = arith.constant 6 : index
        %swap3A_246 = memref.load %arg4[%swap3A_243, %swap3A_244, %swap3A_245] : memref<1x1x8xi32, #tpu.memory_space<smem>>
        memref.store %reduce_min3A_238, %arg4[%swap3A_243, %swap3A_244, %swap3A_245] : memref<1x1x8xi32, #tpu.memory_space<smem>>
        %eq3A_247 = vector.broadcast %reduce_min3A_238 : i32 to vector<224x128xi32>
        %eq3A_248 = arith.cmpi eq, %add3A_30, %eq3A_247 : vector<224x128xi32>
        %jit3A_249 = arith.constant -3.40282347E+38 : f32
        %broadcast_in_dim3A_250 = vector.broadcast %jit3A_249 : f32 to vector<224x128xf32>
        %select_n3A_251 = arith.select %eq3A_248, %broadcast_in_dim3A_250, %select_n3A_224 : vector<224x128xi1>, vector<224x128xf32>
        %reduce_max3A_252 = vector.shape_cast %select_n3A_251 : vector<224x128xf32> to vector<1x224x128xf32>
        %reduce_max3A_253 = arith.constant dense<0xFF800000> : vector<1xf32>
        %reduce_max3A_254 = vector.multi_reduction <maximumf>, %reduce_max3A_252, %reduce_max3A_253 [1, 2] : vector<1x224x128xf32> to vector<1xf32>
        %reduce_max3A_255 = vector.shape_cast %reduce_max3A_254 : vector<1xf32> to vector<1x1x1xf32>
        %reduce_max3A_256 = vector.extract %reduce_max3A_255[0, 0, 0] : f32 from vector<1x1x1xf32>
        %eq3A_257 = vector.broadcast %reduce_max3A_256 : f32 to vector<224x128xf32>
        %eq3A_258 = arith.cmpf oeq, %select_n3A_251, %eq3A_257 : vector<224x128xf32>
        %broadcast_in_dim3A_259 = vector.broadcast %cond3A_67 : i32 to vector<224x128xi32>
        %select_n3A_260 = arith.select %eq3A_258, %add3A_30, %broadcast_in_dim3A_259 : vector<224x128xi1>, vector<224x128xi32>
        %reduce_min3A_261 = vector.shape_cast %select_n3A_260 : vector<224x128xi32> to vector<1x224x128xi32>
        %reduce_min3A_262 = arith.constant dense<2147483647> : vector<1xi32>
        %reduce_min3A_263 = vector.multi_reduction <minsi>, %reduce_min3A_261, %reduce_min3A_262 [1, 2] : vector<1x224x128xi32> to vector<1xi32>
        %reduce_min3A_264 = vector.shape_cast %reduce_min3A_263 : vector<1xi32> to vector<1x1x1xi32>
        %reduce_min3A_265 = vector.extract %reduce_min3A_264[0, 0, 0] : i32 from vector<1x1x1xi32>
        %swap3A_266 = arith.constant 0 : index
        %swap3A_267 = arith.constant 0 : index
        %swap3A_268 = arith.constant 7 : index
        %swap3A_269 = memref.load %arg3[%swap3A_266, %swap3A_267, %swap3A_268] : memref<1x1x8xf32, #tpu.memory_space<smem>>
        memref.store %reduce_max3A_256, %arg3[%swap3A_266, %swap3A_267, %swap3A_268] : memref<1x1x8xf32, #tpu.memory_space<smem>>
        %swap3A_270 = arith.constant 0 : index
        %swap3A_271 = arith.constant 0 : index
        %swap3A_272 = arith.constant 7 : index
        %swap3A_273 = memref.load %arg4[%swap3A_270, %swap3A_271, %swap3A_272] : memref<1x1x8xi32, #tpu.memory_space<smem>>
        memref.store %reduce_min3A_265, %arg4[%swap3A_270, %swap3A_271, %swap3A_272] : memref<1x1x8xi32, #tpu.memory_space<smem>>
        %get3A_274 = arith.constant 0 : index
        %get3A_275 = memref.load %arg5[%get3A_274] : memref<8xf32, #tpu.memory_space<smem>>
        %max3A_276 = arith.maximumf %get3A_275, %reduce_max3A_256 : f32
        %get3A_277 = arith.constant 1 : index
        %get3A_278 = memref.load %arg5[%get3A_277] : memref<8xf32, #tpu.memory_space<smem>>
        %max3A_279 = arith.maximumf %get3A_278, %reduce_max3A_229 : f32
        %get3A_280 = arith.constant 2 : index
        %get3A_281 = memref.load %arg5[%get3A_280] : memref<8xf32, #tpu.memory_space<smem>>
        %max3A_282 = arith.maximumf %get3A_281, %reduce_max3A_202 : f32
        %get3A_283 = arith.constant 3 : index
        %get3A_284 = memref.load %arg5[%get3A_283] : memref<8xf32, #tpu.memory_space<smem>>
        %max3A_285 = arith.maximumf %get3A_284, %reduce_max3A_175 : f32
        %get3A_286 = arith.constant 4 : index
        %get3A_287 = memref.load %arg5[%get3A_286] : memref<8xf32, #tpu.memory_space<smem>>
        %max3A_288 = arith.maximumf %get3A_287, %reduce_max3A_148 : f32
        %get3A_289 = arith.constant 5 : index
        %get3A_290 = memref.load %arg5[%get3A_289] : memref<8xf32, #tpu.memory_space<smem>>
        %max3A_291 = arith.maximumf %get3A_290, %reduce_max3A_121 : f32
        %get3A_292 = arith.constant 6 : index
        %get3A_293 = memref.load %arg5[%get3A_292] : memref<8xf32, #tpu.memory_space<smem>>
        %max3A_294 = arith.maximumf %get3A_293, %reduce_max3A_94 : f32
        %get3A_295 = arith.constant 7 : index
        %get3A_296 = memref.load %arg5[%get3A_295] : memref<8xf32, #tpu.memory_space<smem>>
        %max3A_297 = arith.maximumf %get3A_296, %reduce_max3A_37 : f32
        %max3A_298 = arith.maximumf %max3A_276, %max3A_288 : f32
        %min3A = arith.minimumf %max3A_276, %max3A_288 : f32
        %max3A_299 = arith.maximumf %max3A_279, %max3A_291 : f32
        %min3A_300 = arith.minimumf %max3A_279, %max3A_291 : f32
        %max3A_301 = arith.maximumf %max3A_282, %max3A_294 : f32
        %min3A_302 = arith.minimumf %max3A_282, %max3A_294 : f32
        %max3A_303 = arith.maximumf %max3A_285, %max3A_297 : f32
        %min3A_304 = arith.minimumf %max3A_285, %max3A_297 : f32
        %max3A_305 = arith.maximumf %max3A_298, %max3A_301 : f32
        %min3A_306 = arith.minimumf %max3A_298, %max3A_301 : f32
        %max3A_307 = arith.maximumf %max3A_299, %max3A_303 : f32
        %min3A_308 = arith.minimumf %max3A_299, %max3A_303 : f32
        %max3A_309 = arith.maximumf %min3A, %min3A_302 : f32
        %min3A_310 = arith.minimumf %min3A, %min3A_302 : f32
        %max3A_311 = arith.maximumf %min3A_300, %min3A_304 : f32
        %min3A_312 = arith.minimumf %min3A_300, %min3A_304 : f32
        %max3A_313 = arith.maximumf %max3A_305, %max3A_307 : f32
        %min3A_314 = arith.minimumf %max3A_305, %max3A_307 : f32
        %max3A_315 = arith.maximumf %min3A_306, %min3A_308 : f32
        %min3A_316 = arith.minimumf %min3A_306, %min3A_308 : f32
        %max3A_317 = arith.maximumf %max3A_309, %max3A_311 : f32
        %min3A_318 = arith.minimumf %max3A_309, %max3A_311 : f32
        %max3A_319 = arith.maximumf %min3A_310, %min3A_312 : f32
        %min3A_320 = arith.minimumf %min3A_310, %min3A_312 : f32
        %swap3A_321 = arith.constant 0 : index
        %swap3A_322 = memref.load %arg5[%swap3A_321] : memref<8xf32, #tpu.memory_space<smem>>
        memref.store %max3A_313, %arg5[%swap3A_321] : memref<8xf32, #tpu.memory_space<smem>>
        %swap3A_323 = arith.constant 1 : index
        %swap3A_324 = memref.load %arg5[%swap3A_323] : memref<8xf32, #tpu.memory_space<smem>>
        memref.store %min3A_314, %arg5[%swap3A_323] : memref<8xf32, #tpu.memory_space<smem>>
        %swap3A_325 = arith.constant 2 : index
        %swap3A_326 = memref.load %arg5[%swap3A_325] : memref<8xf32, #tpu.memory_space<smem>>
        memref.store %max3A_315, %arg5[%swap3A_325] : memref<8xf32, #tpu.memory_space<smem>>
        %swap3A_327 = arith.constant 3 : index
        %swap3A_328 = memref.load %arg5[%swap3A_327] : memref<8xf32, #tpu.memory_space<smem>>
        memref.store %min3A_316, %arg5[%swap3A_327] : memref<8xf32, #tpu.memory_space<smem>>
        %swap3A_329 = arith.constant 4 : index
        %swap3A_330 = memref.load %arg5[%swap3A_329] : memref<8xf32, #tpu.memory_space<smem>>
        memref.store %max3A_317, %arg5[%swap3A_329] : memref<8xf32, #tpu.memory_space<smem>>
        %swap3A_331 = arith.constant 5 : index
        %swap3A_332 = memref.load %arg5[%swap3A_331] : memref<8xf32, #tpu.memory_space<smem>>
        memref.store %min3A_318, %arg5[%swap3A_331] : memref<8xf32, #tpu.memory_space<smem>>
        %swap3A_333 = arith.constant 6 : index
        %swap3A_334 = memref.load %arg5[%swap3A_333] : memref<8xf32, #tpu.memory_space<smem>>
        memref.store %max3A_319, %arg5[%swap3A_333] : memref<8xf32, #tpu.memory_space<smem>>
        %swap3A_335 = arith.constant 7 : index
        %swap3A_336 = memref.load %arg5[%swap3A_335] : memref<8xf32, #tpu.memory_space<smem>>
        memref.store %min3A_320, %arg5[%swap3A_335] : memref<8xf32, #tpu.memory_space<smem>>
      } else {
      }
    } else {
    }
    %le3A = arith.cmpf ole, %reduce_max3A_37, %get3A_39 : f32
    %convert_element_type3A_43 = arith.extui %le3A : i1 to i32
    %cond3A_44 = arith.constant 0 : i32
    %cond3A_45 = arith.cmpi ne, %convert_element_type3A_43, %cond3A_44 : i32
    scf.if %cond3A_45 {
      %swap3A = arith.constant -3.40282347E+38 : f32
      %swap3A_46 = arith.constant 0 : index
      %swap3A_47 = arith.constant 0 : index
      %swap3A_48 = arith.constant 0 : index
      %swap3A_49 = memref.load %arg3[%swap3A_46, %swap3A_47, %swap3A_48] : memref<1x1x8xf32, #tpu.memory_space<smem>>
      memref.store %swap3A, %arg3[%swap3A_46, %swap3A_47, %swap3A_48] : memref<1x1x8xf32, #tpu.memory_space<smem>>
      %swap3A_50 = arith.constant 0 : i32
      %swap3A_51 = arith.constant 0 : index
      %swap3A_52 = arith.constant 0 : index
      %swap3A_53 = arith.constant 0 : index
      %swap3A_54 = memref.load %arg4[%swap3A_51, %swap3A_52, %swap3A_53] : memref<1x1x8xi32, #tpu.memory_space<smem>>
      memref.store %swap3A_50, %arg4[%swap3A_51, %swap3A_52, %swap3A_53] : memref<1x1x8xi32, #tpu.memory_space<smem>>
      %swap3A_55 = arith.constant -3.40282347E+38 : f32
      %swap3A_56 = arith.constant 0 : index
      %swap3A_57 = arith.constant 0 : index
      %swap3A_58 = arith.constant 1 : index
      %swap3A_59 = memref.load %arg3[%swap3A_56, %swap3A_57, %swap3A_58] : memref<1x1x8xf32, #tpu.memory_space<smem>>
      memref.store %swap3A_55, %arg3[%swap3A_56, %swap3A_57, %swap3A_58] : memref<1x1x8xf32, #tpu.memory_space<smem>>
      %swap3A_60 = arith.constant 0 : i32
      %swap3A_61 = arith.constant 0 : index
      %swap3A_62 = arith.constant 0 : index
      %swap3A_63 = arith.constant 1 : index
      %swap3A_64 = memref.load %arg4[%swap3A_61, %swap3A_62, %swap3A_63] : memref<1x1x8xi32, #tpu.memory_space<smem>>
      memref.store %swap3A_60, %arg4[%swap3A_61, %swap3A_62, %swap3A_63] : memref<1x1x8xi32, #tpu.memory_space<smem>>
      %swap3A_65 = arith.constant -3.40282347E+38 : f32
      %swap3A_66 = arith.constant 0 : index
      %swap3A_67 = arith.constant 0 : index
      %swap3A_68 = arith.constant 2 : index
      %swap3A_69 = memref.load %arg3[%swap3A_66, %swap3A_67, %swap3A_68] : memref<1x1x8xf32, #tpu.memory_space<smem>>
      memref.store %swap3A_65, %arg3[%swap3A_66, %swap3A_67, %swap3A_68] : memref<1x1x8xf32, #tpu.memory_space<smem>>
      %swap3A_70 = arith.constant 0 : i32
      %swap3A_71 = arith.constant 0 : index
      %swap3A_72 = arith.constant 0 : index
      %swap3A_73 = arith.constant 2 : index
      %swap3A_74 = memref.load %arg4[%swap3A_71, %swap3A_72, %swap3A_73] : memref<1x1x8xi32, #tpu.memory_space<smem>>
      memref.store %swap3A_70, %arg4[%swap3A_71, %swap3A_72, %swap3A_73] : memref<1x1x8xi32, #tpu.memory_space<smem>>
      %swap3A_75 = arith.constant -3.40282347E+38 : f32
      %swap3A_76 = arith.constant 0 : index
      %swap3A_77 = arith.constant 0 : index
      %swap3A_78 = arith.constant 3 : index
      %swap3A_79 = memref.load %arg3[%swap3A_76, %swap3A_77, %swap3A_78] : memref<1x1x8xf32, #tpu.memory_space<smem>>
      memref.store %swap3A_75, %arg3[%swap3A_76, %swap3A_77, %swap3A_78] : memref<1x1x8xf32, #tpu.memory_space<smem>>
      %swap3A_80 = arith.constant 0 : i32
      %swap3A_81 = arith.constant 0 : index
      %swap3A_82 = arith.constant 0 : index
      %swap3A_83 = arith.constant 3 : index
      %swap3A_84 = memref.load %arg4[%swap3A_81, %swap3A_82, %swap3A_83] : memref<1x1x8xi32, #tpu.memory_space<smem>>
      memref.store %swap3A_80, %arg4[%swap3A_81, %swap3A_82, %swap3A_83] : memref<1x1x8xi32, #tpu.memory_space<smem>>
      %swap3A_85 = arith.constant -3.40282347E+38 : f32
      %swap3A_86 = arith.constant 0 : index
      %swap3A_87 = arith.constant 0 : index
      %swap3A_88 = arith.constant 4 : index
      %swap3A_89 = memref.load %arg3[%swap3A_86, %swap3A_87, %swap3A_88] : memref<1x1x8xf32, #tpu.memory_space<smem>>
      memref.store %swap3A_85, %arg3[%swap3A_86, %swap3A_87, %swap3A_88] : memref<1x1x8xf32, #tpu.memory_space<smem>>
      %swap3A_90 = arith.constant 0 : i32
      %swap3A_91 = arith.constant 0 : index
      %swap3A_92 = arith.constant 0 : index
      %swap3A_93 = arith.constant 4 : index
      %swap3A_94 = memref.load %arg4[%swap3A_91, %swap3A_92, %swap3A_93] : memref<1x1x8xi32, #tpu.memory_space<smem>>
      memref.store %swap3A_90, %arg4[%swap3A_91, %swap3A_92, %swap3A_93] : memref<1x1x8xi32, #tpu.memory_space<smem>>
      %swap3A_95 = arith.constant -3.40282347E+38 : f32
      %swap3A_96 = arith.constant 0 : index
      %swap3A_97 = arith.constant 0 : index
      %swap3A_98 = arith.constant 5 : index
      %swap3A_99 = memref.load %arg3[%swap3A_96, %swap3A_97, %swap3A_98] : memref<1x1x8xf32, #tpu.memory_space<smem>>
      memref.store %swap3A_95, %arg3[%swap3A_96, %swap3A_97, %swap3A_98] : memref<1x1x8xf32, #tpu.memory_space<smem>>
      %swap3A_100 = arith.constant 0 : i32
      %swap3A_101 = arith.constant 0 : index
      %swap3A_102 = arith.constant 0 : index
      %swap3A_103 = arith.constant 5 : index
      %swap3A_104 = memref.load %arg4[%swap3A_101, %swap3A_102, %swap3A_103] : memref<1x1x8xi32, #tpu.memory_space<smem>>
      memref.store %swap3A_100, %arg4[%swap3A_101, %swap3A_102, %swap3A_103] : memref<1x1x8xi32, #tpu.memory_space<smem>>
      %swap3A_105 = arith.constant -3.40282347E+38 : f32
      %swap3A_106 = arith.constant 0 : index
      %swap3A_107 = arith.constant 0 : index
      %swap3A_108 = arith.constant 6 : index
      %swap3A_109 = memref.load %arg3[%swap3A_106, %swap3A_107, %swap3A_108] : memref<1x1x8xf32, #tpu.memory_space<smem>>
      memref.store %swap3A_105, %arg3[%swap3A_106, %swap3A_107, %swap3A_108] : memref<1x1x8xf32, #tpu.memory_space<smem>>
      %swap3A_110 = arith.constant 0 : i32
      %swap3A_111 = arith.constant 0 : index
      %swap3A_112 = arith.constant 0 : index
      %swap3A_113 = arith.constant 6 : index
      %swap3A_114 = memref.load %arg4[%swap3A_111, %swap3A_112, %swap3A_113] : memref<1x1x8xi32, #tpu.memory_space<smem>>
      memref.store %swap3A_110, %arg4[%swap3A_111, %swap3A_112, %swap3A_113] : memref<1x1x8xi32, #tpu.memory_space<smem>>
      %swap3A_115 = arith.constant -3.40282347E+38 : f32
      %swap3A_116 = arith.constant 0 : index
      %swap3A_117 = arith.constant 0 : index
      %swap3A_118 = arith.constant 7 : index
      %swap3A_119 = memref.load %arg3[%swap3A_116, %swap3A_117, %swap3A_118] : memref<1x1x8xf32, #tpu.memory_space<smem>>
      memref.store %swap3A_115, %arg3[%swap3A_116, %swap3A_117, %swap3A_118] : memref<1x1x8xf32, #tpu.memory_space<smem>>
      %swap3A_120 = arith.constant 0 : i32
      %swap3A_121 = arith.constant 0 : index
      %swap3A_122 = arith.constant 0 : index
      %swap3A_123 = arith.constant 7 : index
      %swap3A_124 = memref.load %arg4[%swap3A_121, %swap3A_122, %swap3A_123] : memref<1x1x8xi32, #tpu.memory_space<smem>>
      memref.store %swap3A_120, %arg4[%swap3A_121, %swap3A_122, %swap3A_123] : memref<1x1x8xi32, #tpu.memory_space<smem>>
    } else {
    }
    return
  }
  func.func @transform_0(%arg0: i32) -> (i32, i32) {
    %c0_i32 = arith.constant 0 : i32
    %c0_i32_0 = arith.constant 0 : i32
    %c0_i32_1 = arith.constant 0 : i32
    return %c0_i32, %c0_i32_0 : i32, i32
  }
  func.func @transform_1(%arg0: i32) -> (i32, i32) {
    %c0_i32 = arith.constant 0 : i32
    %c0_i32_0 = arith.constant 0 : i32
    return %arg0, %c0_i32 : i32, i32
  }
  func.func @transform_2(%arg0: i32) -> (i32, i32, i32) {
    %c0_i32 = arith.constant 0 : i32
    %c0_i32_0 = arith.constant 0 : i32
    %c0_i32_1 = arith.constant 0 : i32
    return %arg0, %c0_i32, %c0_i32_0 : i32, i32, i32
  }
  func.func @transform_3(%arg0: i32) -> (i32, i32, i32) {
    %c0_i32 = arith.constant 0 : i32
    %c0_i32_0 = arith.constant 0 : i32
    %c0_i32_1 = arith.constant 0 : i32
    return %arg0, %c0_i32, %c0_i32_0 : i32, i32, i32
  }
}

</mosaic_0001>

<sc_bundles>
// kernel: kernel.5.cloned.1.call-start
scs
__scs_entry_jumppad:
0x0: {  	(pc) =	sbr.rel $0x88, $3  }
0x1: {  	(tag) =	ssettag $0x0;
	lr =	simm.s32 $0x1  }
0x2: {  	[smem:$0x3F94] =	sst lr;
	_ =	strace $0xD0000000  }
0x3: {  	_ = 	snop  }
0x4: {  	_ = 	snop  }
0x5: {  	_ = 	snop  }
0x6: {  	_ = 	snop  }
0x7: {  	_ = 	snop  }
__scs_overlays_trampoline_lowered:
0x8: {  	[smem:$0x3FA3] =	sst s0  }
0x9: {  	[smem:$0x3FA4] =	sst s1  }
0xa: {  	[smem:$0x3FA5] =	sst s2  }
0xb: {  	[smem:$0x3FA6] =	sst s3  }
0xc: {  	[smem:$0x3FA7] =	sst s4  }
0xd: {  	[smem:$0x3FA8] =	sst s5  }
0xe: {  	[smem:$0x3FA9] =	sst s6  }
0xf: {  	[smem:$0x3FAA] =	sst s7  }
0x10: {  	[smem:$0x3FAB] =	sst s8  }
0x11: {  	[smem:$0x3FAC] =	sst s9;
	s0 =	simm.s32 @!p0 $0x0  }
0x12: {  	s1 =	sld [smem:$0x3F92];
	s0 =	simm.s32 @p0 $0x1  }
0x13: {  	[smem:$0x3FAD] =	sst s0;
	s0 =	simm.s32 @!p1 $0x0  }
0x14: {  	s2 =	sld [smem:$0x3F91];
	s0 =	simm.s32 @p1 $0x1  }
0x15: {  	[smem:$0x3FAE] =	sst s0;
	s0 =	simm.s32 @!p2 $0x0  }
0x16: {  	s3 =	sld [smem:$0x3FDB];
	s0 =	simm.s32 @p2 $0x1  }
0x17: {  	s4 =	simm.s32 $0x1BF5;
	[smem:$0x3FB0] =	sst s0  }
0x18: {  	s0 =	sld [smem:$0x3F93];
	_ =	swait.ge [sflag:s4], $0x0  }
0x19: {  	s7 =	sld [smem:$0x3F94]  }
0x1a: {  	s8 =	sadd.s32 $0xFFFFE003, lr  }
0x1b: {  	s9 =	sadd.s32 $0xFFFFFEF7, lr;
	s5 =	simm.s32 $0xFFFFFFFF;
	p2 =	slt.u32 s8, $0xFFFFF086  }
0x1c: {  	p1 =	slt.u32 s9, $0xF7A;
	s5 =	simm.s32 @!p2 $0x0  }
0x1d: {  	s5 =	simm.s32 @p1 $0x1;
	p0 =	seq.s32 s7, s2  }
0x1e: {  	s7 =	smul.u32 @!p0 $0xF7A, s2;
	p2 =	seq.s32 @!p0 s5, $0x0  }
0x1f: {  	s9 =	smul.u32 $0xF7A, s1;
	s8 =	simm.s32 @!p0 $0x1BF5;
	p2 =	por !p2, p0  }
0x20: {  	[sflag:s8] =	ssyncset.s32 @!p0 $0xFFFFF086;
	s6 =	sadd.s32 @!p0 s3, s7;
	s7 =	simm.s32 @!p0 $0x108  }
0x21: {  	s3 =	sadd.s32 s3, s9;
	s6 =	sadd.s32 @!p0 $0x88, s6;
	s7 =	simm.s32 @p2 $0x1082  }
0x22: {  	[simem:s7], [sflag:s8] =	dma.local @!p0 [hbm:s6], $0xF7A  }
0x23: {  	s9 =	sor.u32 $0xD0000000, s2;
	s6 =	simm.s32 $0x108;
	_ =	swait.ge @!p0 [sflag:s8], $0x0  }
0x24: {  	s3 =	sadd.s32 $0x88, s3;
	s6 =	simm.s32 @!p1 $0x1082;
	[sflag:s4] =	ssyncset.s32 $0xFFFFF086  }
0x25: {  	[simem:s6], [sflag:s4] =	dma.local [hbm:s3], $0xF7A  }
0x26: {  	[smem:$0x3F94] =	sst s1;
	(tag) =	ssettag s2;
	_ =	strace s9  }
0x27: {  	s1 =	sld [smem:$0x3FA4]  }
0x28: {  	s2 =	sld [smem:$0x3FA5]  }
0x29: {  	s4 =	sld [smem:$0x3FA7]  }
0x2a: {  	p0 =	seq.s32 s5, $0x0;
	s5 =	sld [smem:$0x3FA8]  }
0x2b: {  	s6 =	sld [smem:$0x3FA9]  }
0x2c: {  	s7 =	sld [smem:$0x3FAA]  }
0x2d: {  	s3 =	simm.s32 $0x108;
	s8 =	sld [smem:$0x3FAB]  }
0x2e: {  	s3 =	simm.s32 @!p0 $0x1082;
	s9 =	sld [smem:$0x3FAC]  }
0x2f: {  	lr =	sadd.s32 s0, s3;
	s0 =	sld [smem:$0x3FA3]  }
0x30: {  	s3 =	sld [smem:$0x3FA6]  }
0x31: {  	[smem:$0x3FAF] =	sst s10  }
0x32: {  	s10 =	sld [smem:$0x3FAD];
	_ =	sdelay $0x3  }
0x33: {  	p0 =	seq.s32 s10, $0x1;
	s10 =	sld [smem:$0x3FAF];
	_ =	sdelay $0x3  }
0x34: {  	[smem:$0x3FAF] =	sst s10  }
0x35: {  	s10 =	sld [smem:$0x3FAE];
	_ =	sdelay $0x3  }
0x36: {  	p1 =	seq.s32 s10, $0x1;
	s10 =	sld [smem:$0x3FAF];
	_ =	sdelay $0x3  }
0x37: {  	[smem:$0x3FAF] =	sst s10  }
0x38: {  	s10 =	sld [smem:$0x3FB0]  }
0x39: {  	_ = 	snop;
	(pc) =	sbr.ind lr, $3  }
0x3a: {  	_ = 	snop  }
0x3b: {  	_ = 	snop  }
0x3c: {  	p2 =	seq.s32 s10, $0x1;
	s10 =	sld [smem:$0x3FAF]  }
0x3d: {  	_ =	shalt  }
0x3e: {  	_ =	shalt  }
0x3f: {  	_ =	shalt  }
0x40: {  	_ =	shalt  }
0x41: {  	_ =	shalt  }
0x42: {  	_ =	shalt  }
0x43: {  	_ =	shalt  }
0x44: {  	_ =	shalt  }
0x45: {  	_ =	shalt  }
0x46: {  	_ =	shalt  }
0x47: {  	_ =	shalt  }
0x48: {  	_ =	shalt  }
0x49: {  	_ =	shalt  }
0x4a: {  	_ =	shalt  }
0x4b: {  	_ =	shalt  }
0x4c: {  	_ =	shalt  }
0x4d: {  	_ =	shalt  }
0x4e: {  	_ =	shalt  }
0x4f: {  	_ =	shalt  }
0x50: {  	_ =	shalt  }
0x51: {  	_ =	shalt  }
0x52: {  	_ =	shalt  }
0x53: {  	_ =	shalt  }
0x54: {  	_ =	shalt  }
0x55: {  	_ =	shalt  }
0x56: {  	_ =	shalt  }
0x57: {  	_ =	shalt  }
0x58: {  	_ =	shalt  }
0x59: {  	_ =	shalt  }
0x5a: {  	_ =	shalt  }
0x5b: {  	_ =	shalt  }
0x5c: {  	_ =	shalt  }
0x5d: {  	_ =	shalt  }
0x5e: {  	_ =	shalt  }
0x5f: {  	_ =	shalt  }
0x60: {  	_ =	shalt  }
0x61: {  	_ =	shalt  }
0x62: {  	_ =	shalt  }
0x63: {  	_ =	shalt  }
0x64: {  	_ =	shalt  }
0x65: {  	_ =	shalt  }
0x66: {  	_ =	shalt  }
0x67: {  	_ =	shalt  }
0x68: {  	_ =	shalt  }
0x69: {  	_ =	shalt  }
0x6a: {  	_ =	shalt  }
0x6b: {  	_ =	shalt  }
0x6c: {  	_ =	shalt  }
0x6d: {  	_ =	shalt  }
0x6e: {  	_ =	shalt  }
0x6f: {  	_ =	shalt  }
0x70: {  	_ =	shalt  }
0x71: {  	_ =	shalt  }
0x72: {  	_ =	shalt  }
0x73: {  	_ =	shalt  }
0x74: {  	_ =	shalt  }
0x75: {  	_ =	shalt  }
0x76: {  	_ =	shalt  }
0x77: {  	_ =	shalt  }
0x78: {  	_ =	shalt  }
0x79: {  	_ =	shalt  }
0x7a: {  	_ =	shalt  }
0x7b: {  	_ =	shalt  }
0x7c: {  	_ =	shalt  }
0x7d: {  	_ =	shalt  }
0x7e: {  	_ =	shalt  }
0x7f: {  	_ =	shalt  }
0x80: {  	_ =	shalt  }
0x81: {  	_ =	shalt  }
0x82: {  	_ =	shalt  }
0x83: {  	_ =	shalt  }
0x84: {  	_ =	shalt  }
0x85: {  	_ =	shalt  }
0x86: {  	_ =	shalt  }
0x87: {  	_ =	shalt  }
.Lfunc_end0:
.L_simem_size_0:
called_computation_lowered:
.L_overlay_start_0:
0x88: {  	s2 =	sld [smem:$0x3FD9]  }
0x89: {  	s3 =	sld [smem:$0x3FFE];
	_ =	sdelay $0x1  }
0x8a: {  	s1 =	srdreg.scid  }
0x8b: {  	s0 =	sand.u32 $0x1, s1  }
0x8c: {  	s17 =	sshll.u32 s0, $0xA;
	s2 =	sadd.s32 s3, s2  }
0x8d: {  	s2 =	sadd.s32 s2, s17  }
0x8e: {  	[smem:$0x3FBB] =	sst s2  }
0x8f: {  	_ = 	snop  }
0x90: {  	s2 =	sld [smem:$0x3FC8];
	(tm) =	ssettm $0x1  }
0x91: {  	s18 =	sld [smem:$0x3FFB];
	_ =	sdelay $0x3  }
0x92: {  	_ =	strace s18  }
0x93: {  	s3 =	sld [smem:$0x3FFC];
	_ =	sdelay $0x3  }
0x94: {  	_ =	strace s3  }
0x95: {  	s3 =	sld [smem:$0x3FFD];
	_ =	sdelay $0x3  }
0x96: {  	_ =	strace s3  }
0x97: {  	_ =	strace $0x8FFFFFFF  }
0x98: {  	s19 =	sld [smem:$0x3FDB];
	_ =	sdelay $0x1  }
0x99: {  	s4 =	simm.s32 $_scs_section_size  }
0x9a: {  	s5 =	simm.s32 $_size__tile_overlayer_lowered;
	s6 =	simm.s32 $_tile_overlayer_lowered  }
0x9b: {  	s22 =	simm.s32 $0x1BFF;
	s21 =	sshll.u32 s6, $0x1;
	s3 =	sadd.s32 s4, s19  }
0x9c: {  	s7 =	simm.s32 $0x0;
	s20 =	sshll.u32 s5, $0x1;
	s5 =	sadd.s32 s21, s3  }
0x9d: {  	[timem:s7], [sflag:s22] =	dma.local [hbm:s5], s20  }
0x9e: {  	_ =	swait.ge [sflag:s22], s20  }
0x9f: {  	s4 =	ssub.s32 $0x0, s20;
	[sflag:s22] =	ssyncset.done $0x0  }
0xa0: {  	[sflag:s22] =	ssyncadd.s32 s4;
	_ =	sdelay $0x1  }
0xa1: {  	s23 =	simm.s32 $0x1B8B  }
0xa2: {  	_ =	swait.ge [sflag:s23], $0x1  }
0xa3: {  	[sflag:s23] =	ssyncset.done $0x0  }
0xa4: {  	s25 =	simm.s32 $0x1B8E;
	s24 =	sld [smem:$0x3FFE];
	[sflag:s23] =	ssyncadd.s32 $0xFFFFFFFF  }
0xa5: {  	s26 =	simm.s32 $execute0_lowered;
	[smem:$0x3FD2] =	sst s25  }
0xa6: {  	s5 =	sshll.u32 s26, $0x1;
	_ =	strace $0x80000046;
	[dreg:$0x1] =	wrdreg $0xFFFFFFFF  }
0xa7: {  	s28 =	simm.s32 $_size_execute0_lowered;
	s3 =	sadd.s32 s3, s5;
	[dreg:$0x0] =	wrdreg $0x0  }
0xa8: {  	s5 =	sshll.u32 s28, $0x1;
	[dreg:$0x2] =	wrdreg s3  }
0xa9: {  	[dreg:$0x3] =	wrdreg s5  }
0xaa: {  	[dreg:$0x4] =	wrdreg $0xC0  }
0xab: {  	_ =	task [dreg:s7], $0x5FFFF  }
0xac: {  	[dreg:$0x1] =	wrdreg $0xFFFFFFFF  }
0xad: {  	[dreg:$0x0] =	wrdreg $0x60  }
0xae: {  	[dreg:$0x2] =	wrdreg s24  }
0xaf: {  	[dreg:$0x3] =	wrdreg s2  }
0xb0: {  	[dreg:$0x4] =	wrdreg $0x9  }
0xb1: {  	_ =	task.clear_ibuf [dreg:s7], $0x5FFFF;
	_ =	strace $0x90000046  }
0xb2: {  	s29 =	simm.s32 $0x9;
	_ =	strace $0x80000048  }
0xb3: {  	_ =	swait.ge [sflag:s29], $0x1  }
0xb4: {  	[sflag:s29] =	ssyncadd.s32 $0xFFFFFFFF  }
0xb5: {  	_ =	strace $0x90000048  }
0xb6: {  	_ =	sfence  }
0xb7: {  	s30 =	sld [smem:$0x0];
	_ =	sdelay $0x2  }
0xb8: {  	s31 =	sshll.u32 s1, $0xD;
	s1 =	sshrl.u32 s1, $0x2  }
0xb9: {  	s3 =	sand.u32 $0x4000, s31;
	s1 =	sadd.s32 s1, s30  }
0xba: {  	s0 =	sor.u32 s3, s0;
	s1 =	sshll.u32 s1, $0x11  }
0xbb: {  	s0 =	sor.u32 s1, s0  }
0xbc: {  	s0 =	sadd.s32 $0x8F2B, s0  }
0xbd: {  	[sflag:s0] =	ssyncadd.remote.s32 $0x1  }
0xbe: {  	_ =	sfence.sel $0xFFFF  }
0xbf: {  	[dreg:$0x0] =	wrdreg $0xFFFFFFFF;
	(pc) =	sbr.abs _section_cstart, $3  }
0xc0: {  	[dreg:$0x1] =	wrdreg $0xFFFFFFFF  }
0xc1: {  	_ =	task.clear_ibuf [dreg:s7], $0x2FFFF;
	_ =	strace $0x9FFFFFFF  }
0xc2: {  	(tm) =	ssettm $0x7FFFFFFF  }
0xc3: {  	_ =	shalt  }
tec
execute0_lowered:
.L_overlay_start_1:
0x0: {  	(tag) =	ssettag $0x1  }
0x1: {  	s0 =	srdreg.scid  }
0x2: {  	s4 =	sand.u32 $0x1, s0;
	s0 =	stileid.u32  }
0x3: {  	s3 =	sor.u32 s0, s4  }
0x4: {  	p0 =	sne.s32 s3, $0x0  }
.Ltmp0:
0x5: {  	_ = 	snop;
	(pc) =	sbr.rel @p0 .LBB2_5-.Ltmp0, $4  }
0x6: {  	_ = 	snop  }
0x7: {  	s5 =	rddreg [dreg:$0x0]  }
0x8: {  	s2 =	rddreg [dreg:$0x1]  }
0x9: {  	s1 =	rddreg [dreg:$0x2];
	_ =	strace $0x80000047  }
0xa: {  	s3 =	sadd.s32 $0x1A00, s5;
	s6 =	ssub.s32 $0x2, s4  }
0xb: {  	s4 =	sadd.s32 $0x1800, s5;
	s5 =	sadd.s32 $0x1C00, s5;
	v0 =	vlaneseq.u32;
	s8 =	simm.s32 $0x2  }
0xc: {  	s9 =	simm.s32 $0x180;
	s10 =	simm.s32 $0x10;
	s11 =	simm.s32 $0x300;
	v0 =	vmul.u32 $0xFFFFFFFF, v0  }
0xd: {  	s12 =	simm.s32 $0x380;
	s13 =	simm.s32 $0x1;
	s7 =	sshrl.u32 s6, $0x1  }
0xe: {  	s14 =	simm.s32 $0x0;
	s6 =	ssub.s32 s6, s7;
	s7 =	simm.s32 $0x0;
	v0 =	vadd.s32 $0xF, v0  }
.LBB2_2:
0xf: {  	[tilespmem:s7], [sflag:$0x2] =	stream.linear.gather [hbm4b:s3+s7], $0x180, $0x38;
	[tilespmem:$0xB80] =	vst v63  }
0x10: {  	_ =	swait.ge [sflag:s8], $0x180  }
0x11: {  	[sflag:s8] =	ssyncset.done $0x0  }
0x12: {  	[sflag:s8] =	ssyncadd.s32 $0xFFFFFE80  }
0x13: {  	[tilespmem:s9], [sflag:$0x2] =	stream.linear.gather [hbm4b:s4+s7], $0x180, $0x38;
	[tilespmem:$0xB80] =	vst v63  }
0x14: {  	_ =	swait.ge [sflag:s8], $0x180  }
0x15: {  	[sflag:s8] =	ssyncset.done $0x0  }
0x16: {  	s15 =	simm.s32 $0x0;
	[sflag:s8] =	ssyncadd.s32 $0xFFFFFE80  }
0x17: {  	v1 =	vld [tilespmem:s15+$0x0]  }
0x18: {  	v2 =	vld [tilespmem:s15+$0x180];
	_ =	sdelay $0x4  }
0x19: {  	(xrf1) =	vsort.dscd.msk.f32 $0xffff, v1, v2;
	_ =	sdelay $0x9  }
0x1a: {  	s31 =	simm.s32 $0x10  }
0x1b: {  	v1 =	vld [tilespmem:s31+$0x0]  }
0x1c: {  	v2 =	vld [tilespmem:s31+$0x180];
	_ =	sdelay $0x1  }
0x1d: {  	v3, v4, _ =	vpop (xrf1)  }
0x1e: {  	v3 =	vperm.xlane v3, v0  }
0x1f: {  	v5 =	vimm.f32 $-3.402823470e+38;
	v4 =	vperm.xlane v4, v0  }
0x20: {  	v6 =	vimm.s32 $0x0;
	(xrf1) =	vsort.dscd.msk.f32 $0xffff, v1, v2;
	vm0 =	vge.f32 v5, v3  }
0x21: {  	v1 =	vsel vm0, v5, v3;
	v2 =	vsel vm0, v6, v4  }
0x22: {  	(xrf1) =	vsort.dscd.msk.f32 $0xffff, v1, v2;
	_ =	sdelay $0x7  }
0x23: {  	s16 =	simm.s32 $0x20  }
0x24: {  	s15 =	simm.s32 $0xC0;
	v1 =	vld [tilespmem:s16+$0x0]  }
.LBB2_3:
0x25: {  	p0 =	sne.s32 s15, $0x440;
	v2 =	vld [tilespmem:s16+$0x180];
	_ =	sdelay $0x1  }
0x26: {  	v3, v4, _ =	vpop (xrf1)  }
0x27: {  	v3 =	vperm.xlane v3, v0  }
0x28: {  	v4 =	vperm.xlane v4, v0;
	v5, v6, _ =	vpop (xrf1)  }
0x29: {  	(xrf1) =	vsort.dscd.msk.f32 $0xffff, v1, v2;
	vm0 =	vge.f32 v5, v3  }
0x2a: {  	v1 =	vsel vm0, v5, v3;
	v2 =	vsel vm0, v6, v4  }
0x2b: {  	(xrf1) =	vsort.dscd.msk.f32 $0xffff, v1, v2;
	_ =	sdelay $0x4  }
.Ltmp1:
0x2c: {  	(pc) =	sbr.rel @p0 .LBB2_3-.Ltmp1, $3  }
0x2d: {  	_ =	sdelay $0x1  }
0x2e: {  	s16 =	sshra.s32 s15, $0x2  }
0x2f: {  	s15 =	sadd.s32 $0x40, s15;
	v1 =	vld [tilespmem:s16+$0x0]  }
0x30: {  	v2 =	vld [tilespmem:s16+$0x180];
	_ =	sdelay $0x1  }
0x31: {  	v3, v4, _ =	vpop (xrf1)  }
0x32: {  	v3 =	vperm.xlane v3, v0  }
0x33: {  	v4 =	vperm.xlane v4, v0;
	v5, v6, _ =	vpop (xrf1)  }
0x34: {  	(xrf1) =	vsort.dscd.msk.f32 $0xffff, v1, v2;
	vm0 =	vge.f32 v5, v3  }
0x35: {  	v1 =	vsel vm0, v5, v3;
	v2 =	vsel vm0, v6, v4  }
0x36: {  	(xrf1) =	vsort.dscd.msk.f32 $0xffff, v1, v2;
	_ =	sdelay $0xb  }
0x37: {  	v1, v2, _ =	vpop (xrf1)  }
0x38: {  	v1 =	vperm.xlane v1, v0  }
0x39: {  	v2 =	vperm.xlane v2, v0;
	v3, v63, _ =	vpop (xrf1)  }
0x3a: {  	vm15 =	vge.f32 v3, v1  }
0x3b: {  	v1 =	vsel vm15, v3, v1;
	v2 =	vsel vm15, v63, v2  }
0x3c: {  	(xrf1) =	vsort.dscd.msk.f32 $0xffff, v1, v2;
	_ =	sdelay $0xd  }
0x3d: {  	v1, v2, _ =	vpop (xrf1)  }
0x3e: {  	[tilespmem:$0x300] =	vst v2  }
0x3f: {  	[tilespmem:s12], [sflag:$0x1] =	stream.indirect.gather [hbm4b:s2+s10], $0x80, s11, s10, $0xb8;
	[tilespmem:$0xB80] =	vst v63  }
0x40: {  	s14 =	sadd.s32 $0x1, s14;
	_ =	swait.ge [sflag:s13], $0x800  }
0x41: {  	p0 =	sne.s32 s14, s6;
	[sflag:s13] =	ssyncset.done $0x0  }
.Ltmp2:
0x42: {  	[sflag:s13] =	ssyncadd.s32 $0xFFFFF800;
	(pc) =	sbr.rel @p0 .LBB2_2-.Ltmp2, $4  }
0x43: {  	[hbm4b:s5+s7] =	stream.linear.scatter [tilespmem:s12], [sflag:$0x2], $0x800, $0x38;
	[tilespmem:$0xB80] =	vst v63  }
0x44: {  	_ =	swait.ge [sflag:s8], $0x800  }
0x45: {  	[sflag:s8] =	ssyncset.done $0x0  }
0x46: {  	[sflag:s8] =	ssyncadd.s32 $0xFFFFF800  }
.LBB2_5:
0x47: {  	_ =	sfence.sel $0x180000  }
0x48: {  	[bflag:$0x0] =	sbarrier.arrive $0xFFFF  }
0x49: {  	p0 =	sne.s32 s0, $0x0;
	_ =	strace $0x90000047  }
0x4a: {  	s0 =	sadd.s32 @!p0 $0x100000, s1;
	[bflag:$0x2] =	sbarrier.arrive $0xFFFF  }
0x4b: {  	[sflag:s0] =	ssyncadd.tile.s32 @!p0 $0x1;
	_ =	shalt  }
.Lfunc_end2:
_tile_overlayer_lowered:
.L_overlay_start_2:
0x4c: {  	(tag) =	ssettag $0x2  }
0x4d: {  	s0 =	rddreg [dreg:$0x0];
	s2 =	stileid.u32  }
0x4e: {  	s1 =	rddreg [dreg:$0x1];
	p0 =	sne.s32 s2, $0x0  }
0x4f: {  	s3 =	rddreg [dreg:$0x2];
	[bflag:$0x3] =	sbarrier.arrive $0xFFFF;
	s2 =	simm.s32 @!p0 $0x1C02  }
0x50: {  	[timem:s3], [sflag:s2] =	dma.local @!p0 [hbm:s0], s1  }
0x51: {  	s0 =	simm.s32 @!p0 $0x2  }
0x52: {  	_ =	swait.ge @!p0 [sflag:s0], s1  }
0x53: {  	s1 =	ssub.s32 @!p0 $0x0, s1;
	[sflag:s0] =	ssyncset.done @!p0 $0x0  }
0x54: {  	[sflag:s0] =	ssyncadd.s32 @!p0 s1  }
0x55: {  	[bflag:$0x3] =	sbarrier.arrive $0xFFFF  }
0x56: {  	_ =	shalt  }

</sc_bundles>
